<compile_context>
chip_gen: v7x
topology: tpu7x:2x2x1
jax: 0.10.2.dev20260603
libtpu: 0.0.44.dev20260713+nightly
codegen_flags: <defaults>
</compile_context>

<pallas_src>
import functools

import jax
import jax.numpy as jnp
from jax import lax
from jax.experimental import pallas as pl
from jax.experimental.pallas import tpu as pltpu
from jax.experimental.pallas import tpu_sc as plsc

VOCAB = 1000000
D = 64
BATCH = 4096
HIST = 200

NC = 2
NS = 16
NW = NC * NS

TOTAL = BATCH * HIST
PER_W = TOTAL // NW
GROUP = 256
NG = PER_W // GROUP
NBUF = 3
LOOKAHEAD = 2


def _body(table_hbm, idx_hbm, out_hbm, idx_v, rows_v, *sems):
    gsems = sems[:NBUF]
    osems = sems[NBUF:]
    wid = lax.axis_index("s") * NC + lax.axis_index("c")
    base = wid * PER_W

    pltpu.sync_copy(idx_hbm.at[pl.ds(base, PER_W)], idx_v)

    def start_gather(g, b):
        pltpu.async_copy(
            table_hbm.at[idx_v.at[pl.ds(g * GROUP, GROUP)]],
            rows_v.at[b], gsems[b])

    def wait_gather(g, b):
        pltpu.make_async_copy(
            table_hbm.at[idx_v.at[pl.ds(g * GROUP, GROUP)]],
            rows_v.at[b], gsems[b]).wait()

    def start_write(g, b):
        pltpu.async_copy(
            rows_v.at[b], out_hbm.at[pl.ds(base + g * GROUP, GROUP)],
            osems[b])

    def wait_write(g, b):
        pltpu.make_async_copy(
            rows_v.at[b], out_hbm.at[pl.ds(base + g * GROUP, GROUP)],
            osems[b]).wait()

    for g in range(LOOKAHEAD):
        start_gather(g, g % NBUF)
    for b in range(NBUF):
        g = b
        wait_gather(g, b)
        start_write(g, b)
        g2 = g + LOOKAHEAD
        if g2 >= LOOKAHEAD:
            if g2 >= NBUF:
                wait_write(g2 - NBUF, g2 % NBUF)
            start_gather(g2, g2 % NBUF)

    def ring(r, carry):
        for b in range(NBUF):
            g = r * NBUF + b
            wait_gather(g, b)
            start_write(g, b)
            g2 = g + LOOKAHEAD
            b2 = (b + LOOKAHEAD) % NBUF
            wait_write(g2 - NBUF, b2)
            start_gather(g2, b2)
        return carry

    nring = NG // NBUF
    lax.fori_loop(1, nring - 1, ring, 0)

    for g in range((nring - 1) * NBUF, NG):
        b = g % NBUF
        wait_gather(g, b)
        start_write(g, b)
        g2 = g + LOOKAHEAD
        if g2 < NG:
            wait_write(g2 - NBUF, g2 % NBUF)
            start_gather(g2, g2 % NBUF)

    for g in range(NG - NBUF, NG):
        wait_write(g, g % NBUF)


@jax.jit
def _run(table, idx):
    mesh = plsc.VectorSubcoreMesh(core_axis_name="c", subcore_axis_name="s")
    fn = functools.partial(
        pl.kernel,
        mesh=mesh,
        out_type=jax.ShapeDtypeStruct((TOTAL, D), jnp.float32),
        scratch_types=[
            pltpu.VMEM((PER_W,), jnp.int32),
            pltpu.VMEM((NBUF, GROUP, D), jnp.float32),
        ] + [pltpu.SemaphoreType.DMA] * (2 * NBUF),
        compiler_params=pltpu.CompilerParams(use_tc_tiling_on_sc=False),
    )(_body)
    return fn(table, idx)


def kernel(x, table):
    idx = x.astype(jnp.int32).reshape(TOTAL)
    out = _run(table, idx)
    return out.reshape(BATCH, HIST, D)

# --- scband reference (transcript-rebuilt; emitter-appended) ---
"""Pipeline reference for scband-embedding-packable-87540023427450 (READ-ONLY COPY).

The authoritative reference and input builder live on the scoring server;
editing this copy changes nothing except your own understanding.
"""

import jax, jax.numpy as jnp
import numpy as np

VOCAB = 1000000
EMBED_DIM = 64
BATCH = 4096
HIST_LEN = 200


def setup_inputs(seed: int = 0) -> dict:
    key = jax.random.key(seed)
    k_idx, k_tab = jax.random.split(key)
    x = jax.random.randint(k_idx, (BATCH, HIST_LEN), 0, VOCAB, dtype=jnp.int64 if jax.config.jax_enable_x64 else jnp.int32)
    table = jax.random.normal(k_tab, (VOCAB, EMBED_DIM), dtype=jnp.float32) * 0.02
    return {"x": x, "table": table}


def reference(x, table):
    # EmbeddingPackable with a plain tensor input: just the wrapped embedding lookup.
    return jnp.take(table, x, axis=0)

if __name__ == "__main__":
    import jax
    _d = setup_inputs()
    print(jax.jit(kernel)(*tuple(_d.values())))

</pallas_src>

<mosaic_0001>
#map = affine_map<(d0, d1) -> (0, 0)>
#map1 = affine_map<(d0, d1) -> (0)>
module attributes {stable_mosaic.version = 14 : i64} {
  func.func @_body(%arg0: i32, %arg1: i32, %arg2: memref<1000000x64xf32, #tpu.memory_space<hbm>>, %arg3: memref<819200xi32, #tpu.memory_space<hbm>>, %arg4: memref<819200x64xf32, #tpu.memory_space<hbm>>, %arg5: memref<25600xi32, #tpu.memory_space<vmem>>, %arg6: memref<3x256x64xf32, #tpu.memory_space<vmem>>, %arg7: memref<!tpu.dma_semaphore, #tpu.memory_space<semaphore_mem>>, %arg8: memref<!tpu.dma_semaphore, #tpu.memory_space<semaphore_mem>>, %arg9: memref<!tpu.dma_semaphore, #tpu.memory_space<semaphore_mem>>, %arg10: memref<!tpu.dma_semaphore, #tpu.memory_space<semaphore_mem>>, %arg11: memref<!tpu.dma_semaphore, #tpu.memory_space<semaphore_mem>>, %arg12: memref<!tpu.dma_semaphore, #tpu.memory_space<semaphore_mem>>) attributes {dimension_semantics = [#tpu.dimension_semantics<core_parallel>, #tpu.dimension_semantics<subcore_parallel>], iteration_bounds = array<i64: 2, 16>, scalar_prefetch = 0 : i64, scratch_operands = 8 : i64, tpu.core_type = #tpu.core_type<sc_vector_subcore>, window_params = [{transform_indices = #map}, {transform_indices = #map1}, {transform_indices = #map}]} {
    %mul3A = arith.constant 2 : i32
    %mul3A_0 = arith.muli %arg1, %mul3A : i32
    %add3A = arith.addi %mul3A_0, %arg0 : i32
    %mul3A_1 = arith.constant 25600 : i32
    %mul3A_2 = arith.muli %add3A, %mul3A_1 : i32
    "tpu.region"() ({
      %run_scoped3A = tpu.sem_alloc : memref<!tpu.dma_semaphore, #tpu.memory_space<semaphore_mem>>
      %dma_start3A_356 = tpu.memref_slice %arg3[%mul3A_2] : memref<819200xi32, #tpu.memory_space<hbm>> -> memref<25600xi32, #tpu.memory_space<hbm>>
      %dma_start3A_357 = tpu.memref_slice %arg3[%mul3A_2] : memref<819200xi32, #tpu.memory_space<hbm>> -> memref<25600xi32, #tpu.memory_space<hbm>>
      tpu.enqueue_dma source(%dma_start3A_357 : memref<25600xi32, #tpu.memory_space<hbm>>) target(%arg5 : memref<25600xi32, #tpu.memory_space<vmem>>) target_semaphore(%run_scoped3A : memref<!tpu.dma_semaphore, #tpu.memory_space<semaphore_mem>>)
      %dma_wait3A_358 = tpu.memref_slice %arg3[%mul3A_2] : memref<819200xi32, #tpu.memory_space<hbm>> -> memref<25600xi32, #tpu.memory_space<hbm>>
      %dma_wait3A_359 = tpu.memref_slice %arg3[%mul3A_2] : memref<819200xi32, #tpu.memory_space<hbm>> -> memref<25600xi32, #tpu.memory_space<hbm>>
      tpu.wait_dma2 semaphore(%run_scoped3A : memref<!tpu.dma_semaphore, #tpu.memory_space<semaphore_mem>>) src(%dma_wait3A_359 : memref<25600xi32, #tpu.memory_space<hbm>>) dst(%arg5 : memref<25600xi32, #tpu.memory_space<vmem>>)
      tpu.yield
    }) : () -> ()
    %dma_start3A = arith.constant 0 : i32
    %dma_start3A_3 = arith.constant 0 : i32
    %dma_start3A_4 = arith.constant 0 : i32
    %dma_start3A_5 = tpu.memref_slice %arg6[%dma_start3A, %dma_start3A_3, %dma_start3A_4] : memref<3x256x64xf32, #tpu.memory_space<vmem>> -> memref<1x256x64xf32, #tpu.memory_space<vmem>>
    %dma_start3A_6 = tpu.memref_squeeze %dma_start3A_5 : memref<1x256x64xf32, #tpu.memory_space<vmem>> -> memref<256x64xf32, #tpu.memory_space<vmem>>
    %dma_start3A_7 = arith.constant 0 : i32
    %dma_start3A_8 = tpu.memref_slice %arg5[%dma_start3A_7] : memref<25600xi32, #tpu.memory_space<vmem>> -> memref<256xi32, #tpu.memory_space<vmem>>
    %dma_start3A_9 = arith.constant 0 : i32
    %dma_start3A_10 = arith.constant 0 : i32
    %dma_start3A_11 = tpu.memref_slice %arg2[%dma_start3A_9, %dma_start3A_10] : memref<1000000x64xf32, #tpu.memory_space<hbm>> -> memref<1000000x64xf32, #tpu.memory_space<hbm>>
    tpu.enqueue_indirect_dma source(%dma_start3A_11 : memref<1000000x64xf32, #tpu.memory_space<hbm>>) target(%dma_start3A_6 : memref<256x64xf32, #tpu.memory_space<vmem>>) offsets(%dma_start3A_8 : memref<256xi32, #tpu.memory_space<vmem>>) semaphore(%arg7 : memref<!tpu.dma_semaphore, #tpu.memory_space<semaphore_mem>>)
    %dma_start3A_12 = arith.constant 1 : i32
    %dma_start3A_13 = arith.constant 0 : i32
    %dma_start3A_14 = arith.constant 0 : i32
    %dma_start3A_15 = tpu.memref_slice %arg6[%dma_start3A_12, %dma_start3A_13, %dma_start3A_14] : memref<3x256x64xf32, #tpu.memory_space<vmem>> -> memref<1x256x64xf32, #tpu.memory_space<vmem>>
    %dma_start3A_16 = tpu.memref_squeeze %dma_start3A_15 : memref<1x256x64xf32, #tpu.memory_space<vmem>> -> memref<256x64xf32, #tpu.memory_space<vmem>>
    %dma_start3A_17 = arith.constant 256 : i32
    %dma_start3A_18 = tpu.memref_slice %arg5[%dma_start3A_17] : memref<25600xi32, #tpu.memory_space<vmem>> -> memref<256xi32, #tpu.memory_space<vmem>>
    %dma_start3A_19 = arith.constant 0 : i32
    %dma_start3A_20 = arith.constant 0 : i32
    %dma_start3A_21 = tpu.memref_slice %arg2[%dma_start3A_19, %dma_start3A_20] : memref<1000000x64xf32, #tpu.memory_space<hbm>> -> memref<1000000x64xf32, #tpu.memory_space<hbm>>
    tpu.enqueue_indirect_dma source(%dma_start3A_21 : memref<1000000x64xf32, #tpu.memory_space<hbm>>) target(%dma_start3A_16 : memref<256x64xf32, #tpu.memory_space<vmem>>) offsets(%dma_start3A_18 : memref<256xi32, #tpu.memory_space<vmem>>) semaphore(%arg8 : memref<!tpu.dma_semaphore, #tpu.memory_space<semaphore_mem>>)
    %dma_wait3A = arith.constant 0 : i32
    %dma_wait3A_22 = arith.constant 0 : i32
    %dma_wait3A_23 = arith.constant 0 : i32
    %dma_wait3A_24 = tpu.memref_slice %arg6[%dma_wait3A, %dma_wait3A_22, %dma_wait3A_23] : memref<3x256x64xf32, #tpu.memory_space<vmem>> -> memref<1x256x64xf32, #tpu.memory_space<vmem>>
    %dma_wait3A_25 = tpu.memref_squeeze %dma_wait3A_24 : memref<1x256x64xf32, #tpu.memory_space<vmem>> -> memref<256x64xf32, #tpu.memory_space<vmem>>
    %dma_wait3A_26 = arith.constant 0 : i32
    %dma_wait3A_27 = tpu.memref_slice %arg5[%dma_wait3A_26] : memref<25600xi32, #tpu.memory_space<vmem>> -> memref<256xi32, #tpu.memory_space<vmem>>
    %dma_wait3A_28 = arith.constant 0 : i32
    %dma_wait3A_29 = arith.constant 0 : i32
    %dma_wait3A_30 = tpu.memref_slice %arg2[%dma_wait3A_28, %dma_wait3A_29] : memref<1000000x64xf32, #tpu.memory_space<hbm>> -> memref<1000000x64xf32, #tpu.memory_space<hbm>>
    tpu.wait_indirect_dma semaphore(%arg7 : memref<!tpu.dma_semaphore, #tpu.memory_space<semaphore_mem>>) src(%dma_wait3A_30 : memref<1000000x64xf32, #tpu.memory_space<hbm>>) dst(%dma_wait3A_25 : memref<256x64xf32, #tpu.memory_space<vmem>>)
    %add3A_31 = arith.constant 0 : i32
    %add3A_32 = arith.addi %mul3A_2, %add3A_31 : i32
    %dma_start3A_33 = arith.constant 0 : i32
    %dma_start3A_34 = arith.constant 0 : i32
    %dma_start3A_35 = arith.constant 0 : i32
    %dma_start3A_36 = tpu.memref_slice %arg6[%dma_start3A_33, %dma_start3A_34, %dma_start3A_35] : memref<3x256x64xf32, #tpu.memory_space<vmem>> -> memref<1x256x64xf32, #tpu.memory_space<vmem>>
    %dma_start3A_37 = tpu.memref_squeeze %dma_start3A_36 : memref<1x256x64xf32, #tpu.memory_space<vmem>> -> memref<256x64xf32, #tpu.memory_space<vmem>>
    %dma_start3A_38 = arith.constant 0 : i32
    %dma_start3A_39 = tpu.memref_slice %arg4[%add3A_32, %dma_start3A_38] : memref<819200x64xf32, #tpu.memory_space<hbm>> -> memref<256x64xf32, #tpu.memory_space<hbm>>
    %dma_start3A_40 = arith.constant 0 : i32
    %dma_start3A_41 = tpu.memref_slice %arg4[%add3A_32, %dma_start3A_40] : memref<819200x64xf32, #tpu.memory_space<hbm>> -> memref<256x64xf32, #tpu.memory_space<hbm>>
    %dma_start3A_42 = arith.constant 0 : i32
    %dma_start3A_43 = arith.constant 0 : i32
    %dma_start3A_44 = tpu.memref_slice %arg6[%dma_start3A_33, %dma_start3A_42, %dma_start3A_43] : memref<3x256x64xf32, #tpu.memory_space<vmem>> -> memref<1x256x64xf32, #tpu.memory_space<vmem>>
    %dma_start3A_45 = tpu.memref_squeeze %dma_start3A_44 : memref<1x256x64xf32, #tpu.memory_space<vmem>> -> memref<256x64xf32, #tpu.memory_space<vmem>>
    tpu.enqueue_dma source(%dma_start3A_45 : memref<256x64xf32, #tpu.memory_space<vmem>>) target(%dma_start3A_41 : memref<256x64xf32, #tpu.memory_space<hbm>>) target_semaphore(%arg10 : memref<!tpu.dma_semaphore, #tpu.memory_space<semaphore_mem>>)
    %dma_start3A_46 = arith.constant 2 : i32
    %dma_start3A_47 = arith.constant 0 : i32
    %dma_start3A_48 = arith.constant 0 : i32
    %dma_start3A_49 = tpu.memref_slice %arg6[%dma_start3A_46, %dma_start3A_47, %dma_start3A_48] : memref<3x256x64xf32, #tpu.memory_space<vmem>> -> memref<1x256x64xf32, #tpu.memory_space<vmem>>
    %dma_start3A_50 = tpu.memref_squeeze %dma_start3A_49 : memref<1x256x64xf32, #tpu.memory_space<vmem>> -> memref<256x64xf32, #tpu.memory_space<vmem>>
    %dma_start3A_51 = arith.constant 512 : i32
    %dma_start3A_52 = tpu.memref_slice %arg5[%dma_start3A_51] : memref<25600xi32, #tpu.memory_space<vmem>> -> memref<256xi32, #tpu.memory_space<vmem>>
    %dma_start3A_53 = arith.constant 0 : i32
    %dma_start3A_54 = arith.constant 0 : i32
    %dma_start3A_55 = tpu.memref_slice %arg2[%dma_start3A_53, %dma_start3A_54] : memref<1000000x64xf32, #tpu.memory_space<hbm>> -> memref<1000000x64xf32, #tpu.memory_space<hbm>>
    tpu.enqueue_indirect_dma source(%dma_start3A_55 : memref<1000000x64xf32, #tpu.memory_space<hbm>>) target(%dma_start3A_50 : memref<256x64xf32, #tpu.memory_space<vmem>>) offsets(%dma_start3A_52 : memref<256xi32, #tpu.memory_space<vmem>>) semaphore(%arg9 : memref<!tpu.dma_semaphore, #tpu.memory_space<semaphore_mem>>)
    %dma_wait3A_56 = arith.constant 1 : i32
    %dma_wait3A_57 = arith.constant 0 : i32
    %dma_wait3A_58 = arith.constant 0 : i32
    %dma_wait3A_59 = tpu.memref_slice %arg6[%dma_wait3A_56, %dma_wait3A_57, %dma_wait3A_58] : memref<3x256x64xf32, #tpu.memory_space<vmem>> -> memref<1x256x64xf32, #tpu.memory_space<vmem>>
    %dma_wait3A_60 = tpu.memref_squeeze %dma_wait3A_59 : memref<1x256x64xf32, #tpu.memory_space<vmem>> -> memref<256x64xf32, #tpu.memory_space<vmem>>
    %dma_wait3A_61 = arith.constant 256 : i32
    %dma_wait3A_62 = tpu.memref_slice %arg5[%dma_wait3A_61] : memref<25600xi32, #tpu.memory_space<vmem>> -> memref<256xi32, #tpu.memory_space<vmem>>
    %dma_wait3A_63 = arith.constant 0 : i32
    %dma_wait3A_64 = arith.constant 0 : i32
    %dma_wait3A_65 = tpu.memref_slice %arg2[%dma_wait3A_63, %dma_wait3A_64] : memref<1000000x64xf32, #tpu.memory_space<hbm>> -> memref<1000000x64xf32, #tpu.memory_space<hbm>>
    tpu.wait_indirect_dma semaphore(%arg8 : memref<!tpu.dma_semaphore, #tpu.memory_space<semaphore_mem>>) src(%dma_wait3A_65 : memref<1000000x64xf32, #tpu.memory_space<hbm>>) dst(%dma_wait3A_60 : memref<256x64xf32, #tpu.memory_space<vmem>>)
    %add3A_66 = arith.constant 256 : i32
    %add3A_67 = arith.addi %mul3A_2, %add3A_66 : i32
    %dma_start3A_68 = arith.constant 1 : i32
    %dma_start3A_69 = arith.constant 0 : i32
    %dma_start3A_70 = arith.constant 0 : i32
    %dma_start3A_71 = tpu.memref_slice %arg6[%dma_start3A_68, %dma_start3A_69, %dma_start3A_70] : memref<3x256x64xf32, #tpu.memory_space<vmem>> -> memref<1x256x64xf32, #tpu.memory_space<vmem>>
    %dma_start3A_72 = tpu.memref_squeeze %dma_start3A_71 : memref<1x256x64xf32, #tpu.memory_space<vmem>> -> memref<256x64xf32, #tpu.memory_space<vmem>>
    %dma_start3A_73 = arith.constant 0 : i32
    %dma_start3A_74 = tpu.memref_slice %arg4[%add3A_67, %dma_start3A_73] : memref<819200x64xf32, #tpu.memory_space<hbm>> -> memref<256x64xf32, #tpu.memory_space<hbm>>
    %dma_start3A_75 = arith.constant 0 : i32
    %dma_start3A_76 = tpu.memref_slice %arg4[%add3A_67, %dma_start3A_75] : memref<819200x64xf32, #tpu.memory_space<hbm>> -> memref<256x64xf32, #tpu.memory_space<hbm>>
    %dma_start3A_77 = arith.constant 0 : i32
    %dma_start3A_78 = arith.constant 0 : i32
    %dma_start3A_79 = tpu.memref_slice %arg6[%dma_start3A_68, %dma_start3A_77, %dma_start3A_78] : memref<3x256x64xf32, #tpu.memory_space<vmem>> -> memref<1x256x64xf32, #tpu.memory_space<vmem>>
    %dma_start3A_80 = tpu.memref_squeeze %dma_start3A_79 : memref<1x256x64xf32, #tpu.memory_space<vmem>> -> memref<256x64xf32, #tpu.memory_space<vmem>>
    tpu.enqueue_dma source(%dma_start3A_80 : memref<256x64xf32, #tpu.memory_space<vmem>>) target(%dma_start3A_76 : memref<256x64xf32, #tpu.memory_space<hbm>>) target_semaphore(%arg11 : memref<!tpu.dma_semaphore, #tpu.memory_space<semaphore_mem>>)
    %add3A_81 = arith.constant 0 : i32
    %add3A_82 = arith.addi %mul3A_2, %add3A_81 : i32
    %dma_wait3A_83 = arith.constant 0 : i32
    %dma_wait3A_84 = arith.constant 0 : i32
    %dma_wait3A_85 = arith.constant 0 : i32
    %dma_wait3A_86 = tpu.memref_slice %arg6[%dma_wait3A_83, %dma_wait3A_84, %dma_wait3A_85] : memref<3x256x64xf32, #tpu.memory_space<vmem>> -> memref<1x256x64xf32, #tpu.memory_space<vmem>>
    %dma_wait3A_87 = tpu.memref_squeeze %dma_wait3A_86 : memref<1x256x64xf32, #tpu.memory_space<vmem>> -> memref<256x64xf32, #tpu.memory_space<vmem>>
    %dma_wait3A_88 = arith.constant 0 : i32
    %dma_wait3A_89 = tpu.memref_slice %arg4[%add3A_82, %dma_wait3A_88] : memref<819200x64xf32, #tpu.memory_space<hbm>> -> memref<256x64xf32, #tpu.memory_space<hbm>>
    %dma_wait3A_90 = arith.constant 0 : i32
    %dma_wait3A_91 = tpu.memref_slice %arg4[%add3A_82, %dma_wait3A_90] : memref<819200x64xf32, #tpu.memory_space<hbm>> -> memref<256x64xf32, #tpu.memory_space<hbm>>
    %dma_wait3A_92 = arith.constant 0 : i32
    %dma_wait3A_93 = arith.constant 0 : i32
    %dma_wait3A_94 = tpu.memref_slice %arg6[%dma_wait3A_83, %dma_wait3A_92, %dma_wait3A_93] : memref<3x256x64xf32, #tpu.memory_space<vmem>> -> memref<1x256x64xf32, #tpu.memory_space<vmem>>
    %dma_wait3A_95 = tpu.memref_squeeze %dma_wait3A_94 : memref<1x256x64xf32, #tpu.memory_space<vmem>> -> memref<256x64xf32, #tpu.memory_space<vmem>>
    tpu.wait_dma2 semaphore(%arg10 : memref<!tpu.dma_semaphore, #tpu.memory_space<semaphore_mem>>) src(%dma_wait3A_95 : memref<256x64xf32, #tpu.memory_space<vmem>>) dst(%dma_wait3A_91 : memref<256x64xf32, #tpu.memory_space<hbm>>)
    %dma_start3A_96 = arith.constant 0 : i32
    %dma_start3A_97 = arith.constant 0 : i32
    %dma_start3A_98 = arith.constant 0 : i32
    %dma_start3A_99 = tpu.memref_slice %arg6[%dma_start3A_96, %dma_start3A_97, %dma_start3A_98] : memref<3x256x64xf32, #tpu.memory_space<vmem>> -> memref<1x256x64xf32, #tpu.memory_space<vmem>>
    %dma_start3A_100 = tpu.memref_squeeze %dma_start3A_99 : memref<1x256x64xf32, #tpu.memory_space<vmem>> -> memref<256x64xf32, #tpu.memory_space<vmem>>
    %dma_start3A_101 = arith.constant 768 : i32
    %dma_start3A_102 = tpu.memref_slice %arg5[%dma_start3A_101] : memref<25600xi32, #tpu.memory_space<vmem>> -> memref<256xi32, #tpu.memory_space<vmem>>
    %dma_start3A_103 = arith.constant 0 : i32
    %dma_start3A_104 = arith.constant 0 : i32
    %dma_start3A_105 = tpu.memref_slice %arg2[%dma_start3A_103, %dma_start3A_104] : memref<1000000x64xf32, #tpu.memory_space<hbm>> -> memref<1000000x64xf32, #tpu.memory_space<hbm>>
    tpu.enqueue_indirect_dma source(%dma_start3A_105 : memref<1000000x64xf32, #tpu.memory_space<hbm>>) target(%dma_start3A_100 : memref<256x64xf32, #tpu.memory_space<vmem>>) offsets(%dma_start3A_102 : memref<256xi32, #tpu.memory_space<vmem>>) semaphore(%arg7 : memref<!tpu.dma_semaphore, #tpu.memory_space<semaphore_mem>>)
    %dma_wait3A_106 = arith.constant 2 : i32
    %dma_wait3A_107 = arith.constant 0 : i32
    %dma_wait3A_108 = arith.constant 0 : i32
    %dma_wait3A_109 = tpu.memref_slice %arg6[%dma_wait3A_106, %dma_wait3A_107, %dma_wait3A_108] : memref<3x256x64xf32, #tpu.memory_space<vmem>> -> memref<1x256x64xf32, #tpu.memory_space<vmem>>
    %dma_wait3A_110 = tpu.memref_squeeze %dma_wait3A_109 : memref<1x256x64xf32, #tpu.memory_space<vmem>> -> memref<256x64xf32, #tpu.memory_space<vmem>>
    %dma_wait3A_111 = arith.constant 512 : i32
    %dma_wait3A_112 = tpu.memref_slice %arg5[%dma_wait3A_111] : memref<25600xi32, #tpu.memory_space<vmem>> -> memref<256xi32, #tpu.memory_space<vmem>>
    %dma_wait3A_113 = arith.constant 0 : i32
    %dma_wait3A_114 = arith.constant 0 : i32
    %dma_wait3A_115 = tpu.memref_slice %arg2[%dma_wait3A_113, %dma_wait3A_114] : memref<1000000x64xf32, #tpu.memory_space<hbm>> -> memref<1000000x64xf32, #tpu.memory_space<hbm>>
    tpu.wait_indirect_dma semaphore(%arg9 : memref<!tpu.dma_semaphore, #tpu.memory_space<semaphore_mem>>) src(%dma_wait3A_115 : memref<1000000x64xf32, #tpu.memory_space<hbm>>) dst(%dma_wait3A_110 : memref<256x64xf32, #tpu.memory_space<vmem>>)
    %add3A_116 = arith.constant 512 : i32
    %add3A_117 = arith.addi %mul3A_2, %add3A_116 : i32
    %dma_start3A_118 = arith.constant 2 : i32
    %dma_start3A_119 = arith.constant 0 : i32
    %dma_start3A_120 = arith.constant 0 : i32
    %dma_start3A_121 = tpu.memref_slice %arg6[%dma_start3A_118, %dma_start3A_119, %dma_start3A_120] : memref<3x256x64xf32, #tpu.memory_space<vmem>> -> memref<1x256x64xf32, #tpu.memory_space<vmem>>
    %dma_start3A_122 = tpu.memref_squeeze %dma_start3A_121 : memref<1x256x64xf32, #tpu.memory_space<vmem>> -> memref<256x64xf32, #tpu.memory_space<vmem>>
    %dma_start3A_123 = arith.constant 0 : i32
    %dma_start3A_124 = tpu.memref_slice %arg4[%add3A_117, %dma_start3A_123] : memref<819200x64xf32, #tpu.memory_space<hbm>> -> memref<256x64xf32, #tpu.memory_space<hbm>>
    %dma_start3A_125 = arith.constant 0 : i32
    %dma_start3A_126 = tpu.memref_slice %arg4[%add3A_117, %dma_start3A_125] : memref<819200x64xf32, #tpu.memory_space<hbm>> -> memref<256x64xf32, #tpu.memory_space<hbm>>
    %dma_start3A_127 = arith.constant 0 : i32
    %dma_start3A_128 = arith.constant 0 : i32
    %dma_start3A_129 = tpu.memref_slice %arg6[%dma_start3A_118, %dma_start3A_127, %dma_start3A_128] : memref<3x256x64xf32, #tpu.memory_space<vmem>> -> memref<1x256x64xf32, #tpu.memory_space<vmem>>
    %dma_start3A_130 = tpu.memref_squeeze %dma_start3A_129 : memref<1x256x64xf32, #tpu.memory_space<vmem>> -> memref<256x64xf32, #tpu.memory_space<vmem>>
    tpu.enqueue_dma source(%dma_start3A_130 : memref<256x64xf32, #tpu.memory_space<vmem>>) target(%dma_start3A_126 : memref<256x64xf32, #tpu.memory_space<hbm>>) target_semaphore(%arg12 : memref<!tpu.dma_semaphore, #tpu.memory_space<semaphore_mem>>)
    %add3A_131 = arith.constant 256 : i32
    %add3A_132 = arith.addi %mul3A_2, %add3A_131 : i32
    %dma_wait3A_133 = arith.constant 1 : i32
    %dma_wait3A_134 = arith.constant 0 : i32
    %dma_wait3A_135 = arith.constant 0 : i32
    %dma_wait3A_136 = tpu.memref_slice %arg6[%dma_wait3A_133, %dma_wait3A_134, %dma_wait3A_135] : memref<3x256x64xf32, #tpu.memory_space<vmem>> -> memref<1x256x64xf32, #tpu.memory_space<vmem>>
    %dma_wait3A_137 = tpu.memref_squeeze %dma_wait3A_136 : memref<1x256x64xf32, #tpu.memory_space<vmem>> -> memref<256x64xf32, #tpu.memory_space<vmem>>
    %dma_wait3A_138 = arith.constant 0 : i32
    %dma_wait3A_139 = tpu.memref_slice %arg4[%add3A_132, %dma_wait3A_138] : memref<819200x64xf32, #tpu.memory_space<hbm>> -> memref<256x64xf32, #tpu.memory_space<hbm>>
    %dma_wait3A_140 = arith.constant 0 : i32
    %dma_wait3A_141 = tpu.memref_slice %arg4[%add3A_132, %dma_wait3A_140] : memref<819200x64xf32, #tpu.memory_space<hbm>> -> memref<256x64xf32, #tpu.memory_space<hbm>>
    %dma_wait3A_142 = arith.constant 0 : i32
    %dma_wait3A_143 = arith.constant 0 : i32
    %dma_wait3A_144 = tpu.memref_slice %arg6[%dma_wait3A_133, %dma_wait3A_142, %dma_wait3A_143] : memref<3x256x64xf32, #tpu.memory_space<vmem>> -> memref<1x256x64xf32, #tpu.memory_space<vmem>>
    %dma_wait3A_145 = tpu.memref_squeeze %dma_wait3A_144 : memref<1x256x64xf32, #tpu.memory_space<vmem>> -> memref<256x64xf32, #tpu.memory_space<vmem>>
    tpu.wait_dma2 semaphore(%arg11 : memref<!tpu.dma_semaphore, #tpu.memory_space<semaphore_mem>>) src(%dma_wait3A_145 : memref<256x64xf32, #tpu.memory_space<vmem>>) dst(%dma_wait3A_141 : memref<256x64xf32, #tpu.memory_space<hbm>>)
    %dma_start3A_146 = arith.constant 1 : i32
    %dma_start3A_147 = arith.constant 0 : i32
    %dma_start3A_148 = arith.constant 0 : i32
    %dma_start3A_149 = tpu.memref_slice %arg6[%dma_start3A_146, %dma_start3A_147, %dma_start3A_148] : memref<3x256x64xf32, #tpu.memory_space<vmem>> -> memref<1x256x64xf32, #tpu.memory_space<vmem>>
    %dma_start3A_150 = tpu.memref_squeeze %dma_start3A_149 : memref<1x256x64xf32, #tpu.memory_space<vmem>> -> memref<256x64xf32, #tpu.memory_space<vmem>>
    %dma_start3A_151 = arith.constant 1024 : i32
    %dma_start3A_152 = tpu.memref_slice %arg5[%dma_start3A_151] : memref<25600xi32, #tpu.memory_space<vmem>> -> memref<256xi32, #tpu.memory_space<vmem>>
    %dma_start3A_153 = arith.constant 0 : i32
    %dma_start3A_154 = arith.constant 0 : i32
    %dma_start3A_155 = tpu.memref_slice %arg2[%dma_start3A_153, %dma_start3A_154] : memref<1000000x64xf32, #tpu.memory_space<hbm>> -> memref<1000000x64xf32, #tpu.memory_space<hbm>>
    tpu.enqueue_indirect_dma source(%dma_start3A_155 : memref<1000000x64xf32, #tpu.memory_space<hbm>>) target(%dma_start3A_150 : memref<256x64xf32, #tpu.memory_space<vmem>>) offsets(%dma_start3A_152 : memref<256xi32, #tpu.memory_space<vmem>>) semaphore(%arg8 : memref<!tpu.dma_semaphore, #tpu.memory_space<semaphore_mem>>)
    %scan3A = arith.constant 0 : i32
    %scan3A_156 = arith.constant 1 : i32
    %scan3A_157 = arith.constant 31 : i32
    %scan3A_158 = arith.addi %scan3A_156, %scan3A_157 : i32
    %scan3A_159 = arith.constant 1 : i32
    scf.for %scan3A_356 = %scan3A_156 to %scan3A_158 step %scan3A_159  : i32 {
      %mul3A_357 = arith.constant 3 : i32
      %mul3A_358 = arith.muli %scan3A_356, %mul3A_357 : i32
      %add3A_359 = arith.constant 0 : i32
      %add3A_360 = arith.addi %mul3A_358, %add3A_359 : i32
      %mul3A_361 = arith.constant 256 : i32
      %mul3A_362 = arith.muli %add3A_360, %mul3A_361 : i32
      %dma_wait3A_363 = arith.constant 0 : i32
      %dma_wait3A_364 = arith.constant 0 : i32
      %dma_wait3A_365 = arith.constant 0 : i32
      %dma_wait3A_366 = tpu.memref_slice %arg6[%dma_wait3A_363, %dma_wait3A_364, %dma_wait3A_365] : memref<3x256x64xf32, #tpu.memory_space<vmem>> -> memref<1x256x64xf32, #tpu.memory_space<vmem>>
      %dma_wait3A_367 = tpu.memref_squeeze %dma_wait3A_366 : memref<1x256x64xf32, #tpu.memory_space<vmem>> -> memref<256x64xf32, #tpu.memory_space<vmem>>
      %dma_wait3A_368 = tpu.memref_slice %arg5[%mul3A_362] : memref<25600xi32, #tpu.memory_space<vmem>> -> memref<256xi32, #tpu.memory_space<vmem>>
      %dma_wait3A_369 = arith.constant 0 : i32
      %dma_wait3A_370 = arith.constant 0 : i32
      %dma_wait3A_371 = tpu.memref_slice %arg2[%dma_wait3A_369, %dma_wait3A_370] : memref<1000000x64xf32, #tpu.memory_space<hbm>> -> memref<1000000x64xf32, #tpu.memory_space<hbm>>
      tpu.wait_indirect_dma semaphore(%arg7 : memref<!tpu.dma_semaphore, #tpu.memory_space<semaphore_mem>>) src(%dma_wait3A_371 : memref<1000000x64xf32, #tpu.memory_space<hbm>>) dst(%dma_wait3A_367 : memref<256x64xf32, #tpu.memory_space<vmem>>)
      %mul3A_372 = arith.constant 256 : i32
      %mul3A_373 = arith.muli %add3A_360, %mul3A_372 : i32
      %add3A_374 = arith.addi %mul3A_2, %mul3A_373 : i32
      %dma_start3A_375 = arith.constant 0 : i32
      %dma_start3A_376 = arith.constant 0 : i32
      %dma_start3A_377 = arith.constant 0 : i32
      %dma_start3A_378 = tpu.memref_slice %arg6[%dma_start3A_375, %dma_start3A_376, %dma_start3A_377] : memref<3x256x64xf32, #tpu.memory_space<vmem>> -> memref<1x256x64xf32, #tpu.memory_space<vmem>>
      %dma_start3A_379 = tpu.memref_squeeze %dma_start3A_378 : memref<1x256x64xf32, #tpu.memory_space<vmem>> -> memref<256x64xf32, #tpu.memory_space<vmem>>
      %dma_start3A_380 = arith.constant 0 : i32
      %dma_start3A_381 = tpu.memref_slice %arg4[%add3A_374, %dma_start3A_380] : memref<819200x64xf32, #tpu.memory_space<hbm>> -> memref<256x64xf32, #tpu.memory_space<hbm>>
      %dma_start3A_382 = arith.constant 0 : i32
      %dma_start3A_383 = tpu.memref_slice %arg4[%add3A_374, %dma_start3A_382] : memref<819200x64xf32, #tpu.memory_space<hbm>> -> memref<256x64xf32, #tpu.memory_space<hbm>>
      %dma_start3A_384 = arith.constant 0 : i32
      %dma_start3A_385 = arith.constant 0 : i32
      %dma_start3A_386 = tpu.memref_slice %arg6[%dma_start3A_375, %dma_start3A_384, %dma_start3A_385] : memref<3x256x64xf32, #tpu.memory_space<vmem>> -> memref<1x256x64xf32, #tpu.memory_space<vmem>>
      %dma_start3A_387 = tpu.memref_squeeze %dma_start3A_386 : memref<1x256x64xf32, #tpu.memory_space<vmem>> -> memref<256x64xf32, #tpu.memory_space<vmem>>
      tpu.enqueue_dma source(%dma_start3A_387 : memref<256x64xf32, #tpu.memory_space<vmem>>) target(%dma_start3A_383 : memref<256x64xf32, #tpu.memory_space<hbm>>) target_semaphore(%arg10 : memref<!tpu.dma_semaphore, #tpu.memory_space<semaphore_mem>>)
      %add3A_388 = arith.constant 2 : i32
      %add3A_389 = arith.addi %add3A_360, %add3A_388 : i32
      %sub3A = arith.constant 3 : i32
      %sub3A_390 = arith.subi %add3A_389, %sub3A : i32
      %mul3A_391 = arith.constant 256 : i32
      %mul3A_392 = arith.muli %sub3A_390, %mul3A_391 : i32
      %add3A_393 = arith.addi %mul3A_2, %mul3A_392 : i32
      %dma_wait3A_394 = arith.constant 2 : i32
      %dma_wait3A_395 = arith.constant 0 : i32
      %dma_wait3A_396 = arith.constant 0 : i32
      %dma_wait3A_397 = tpu.memref_slice %arg6[%dma_wait3A_394, %dma_wait3A_395, %dma_wait3A_396] : memref<3x256x64xf32, #tpu.memory_space<vmem>> -> memref<1x256x64xf32, #tpu.memory_space<vmem>>
      %dma_wait3A_398 = tpu.memref_squeeze %dma_wait3A_397 : memref<1x256x64xf32, #tpu.memory_space<vmem>> -> memref<256x64xf32, #tpu.memory_space<vmem>>
      %dma_wait3A_399 = arith.constant 0 : i32
      %dma_wait3A_400 = tpu.memref_slice %arg4[%add3A_393, %dma_wait3A_399] : memref<819200x64xf32, #tpu.memory_space<hbm>> -> memref<256x64xf32, #tpu.memory_space<hbm>>
      %dma_wait3A_401 = arith.constant 0 : i32
      %dma_wait3A_402 = tpu.memref_slice %arg4[%add3A_393, %dma_wait3A_401] : memref<819200x64xf32, #tpu.memory_space<hbm>> -> memref<256x64xf32, #tpu.memory_space<hbm>>
      %dma_wait3A_403 = arith.constant 0 : i32
      %dma_wait3A_404 = arith.constant 0 : i32
      %dma_wait3A_405 = tpu.memref_slice %arg6[%dma_wait3A_394, %dma_wait3A_403, %dma_wait3A_404] : memref<3x256x64xf32, #tpu.memory_space<vmem>> -> memref<1x256x64xf32, #tpu.memory_space<vmem>>
      %dma_wait3A_406 = tpu.memref_squeeze %dma_wait3A_405 : memref<1x256x64xf32, #tpu.memory_space<vmem>> -> memref<256x64xf32, #tpu.memory_space<vmem>>
      tpu.wait_dma2 semaphore(%arg12 : memref<!tpu.dma_semaphore, #tpu.memory_space<semaphore_mem>>) src(%dma_wait3A_406 : memref<256x64xf32, #tpu.memory_space<vmem>>) dst(%dma_wait3A_402 : memref<256x64xf32, #tpu.memory_space<hbm>>)
      %mul3A_407 = arith.constant 256 : i32
      %mul3A_408 = arith.muli %add3A_389, %mul3A_407 : i32
      %dma_start3A_409 = arith.constant 2 : i32
      %dma_start3A_410 = arith.constant 0 : i32
      %dma_start3A_411 = arith.constant 0 : i32
      %dma_start3A_412 = tpu.memref_slice %arg6[%dma_start3A_409, %dma_start3A_410, %dma_start3A_411] : memref<3x256x64xf32, #tpu.memory_space<vmem>> -> memref<1x256x64xf32, #tpu.memory_space<vmem>>
      %dma_start3A_413 = tpu.memref_squeeze %dma_start3A_412 : memref<1x256x64xf32, #tpu.memory_space<vmem>> -> memref<256x64xf32, #tpu.memory_space<vmem>>
      %dma_start3A_414 = tpu.memref_slice %arg5[%mul3A_408] : memref<25600xi32, #tpu.memory_space<vmem>> -> memref<256xi32, #tpu.memory_space<vmem>>
      %dma_start3A_415 = arith.constant 0 : i32
      %dma_start3A_416 = arith.constant 0 : i32
      %dma_start3A_417 = tpu.memref_slice %arg2[%dma_start3A_415, %dma_start3A_416] : memref<1000000x64xf32, #tpu.memory_space<hbm>> -> memref<1000000x64xf32, #tpu.memory_space<hbm>>
      tpu.enqueue_indirect_dma source(%dma_start3A_417 : memref<1000000x64xf32, #tpu.memory_space<hbm>>) target(%dma_start3A_413 : memref<256x64xf32, #tpu.memory_space<vmem>>) offsets(%dma_start3A_414 : memref<256xi32, #tpu.memory_space<vmem>>) semaphore(%arg9 : memref<!tpu.dma_semaphore, #tpu.memory_space<semaphore_mem>>)
      %mul3A_418 = arith.constant 3 : i32
      %mul3A_419 = arith.muli %scan3A_356, %mul3A_418 : i32
      %add3A_420 = arith.constant 1 : i32
      %add3A_421 = arith.addi %mul3A_419, %add3A_420 : i32
      %mul3A_422 = arith.constant 256 : i32
      %mul3A_423 = arith.muli %add3A_421, %mul3A_422 : i32
      %dma_wait3A_424 = arith.constant 1 : i32
      %dma_wait3A_425 = arith.constant 0 : i32
      %dma_wait3A_426 = arith.constant 0 : i32
      %dma_wait3A_427 = tpu.memref_slice %arg6[%dma_wait3A_424, %dma_wait3A_425, %dma_wait3A_426] : memref<3x256x64xf32, #tpu.memory_space<vmem>> -> memref<1x256x64xf32, #tpu.memory_space<vmem>>
      %dma_wait3A_428 = tpu.memref_squeeze %dma_wait3A_427 : memref<1x256x64xf32, #tpu.memory_space<vmem>> -> memref<256x64xf32, #tpu.memory_space<vmem>>
      %dma_wait3A_429 = tpu.memref_slice %arg5[%mul3A_423] : memref<25600xi32, #tpu.memory_space<vmem>> -> memref<256xi32, #tpu.memory_space<vmem>>
      %dma_wait3A_430 = arith.constant 0 : i32
      %dma_wait3A_431 = arith.constant 0 : i32
      %dma_wait3A_432 = tpu.memref_slice %arg2[%dma_wait3A_430, %dma_wait3A_431] : memref<1000000x64xf32, #tpu.memory_space<hbm>> -> memref<1000000x64xf32, #tpu.memory_space<hbm>>
      tpu.wait_indirect_dma semaphore(%arg8 : memref<!tpu.dma_semaphore, #tpu.memory_space<semaphore_mem>>) src(%dma_wait3A_432 : memref<1000000x64xf32, #tpu.memory_space<hbm>>) dst(%dma_wait3A_428 : memref<256x64xf32, #tpu.memory_space<vmem>>)
      %mul3A_433 = arith.constant 256 : i32
      %mul3A_434 = arith.muli %add3A_421, %mul3A_433 : i32
      %add3A_435 = arith.addi %mul3A_2, %mul3A_434 : i32
      %dma_start3A_436 = arith.constant 1 : i32
      %dma_start3A_437 = arith.constant 0 : i32
      %dma_start3A_438 = arith.constant 0 : i32
      %dma_start3A_439 = tpu.memref_slice %arg6[%dma_start3A_436, %dma_start3A_437, %dma_start3A_438] : memref<3x256x64xf32, #tpu.memory_space<vmem>> -> memref<1x256x64xf32, #tpu.memory_space<vmem>>
      %dma_start3A_440 = tpu.memref_squeeze %dma_start3A_439 : memref<1x256x64xf32, #tpu.memory_space<vmem>> -> memref<256x64xf32, #tpu.memory_space<vmem>>
      %dma_start3A_441 = arith.constant 0 : i32
      %dma_start3A_442 = tpu.memref_slice %arg4[%add3A_435, %dma_start3A_441] : memref<819200x64xf32, #tpu.memory_space<hbm>> -> memref<256x64xf32, #tpu.memory_space<hbm>>
      %dma_start3A_443 = arith.constant 0 : i32
      %dma_start3A_444 = tpu.memref_slice %arg4[%add3A_435, %dma_start3A_443] : memref<819200x64xf32, #tpu.memory_space<hbm>> -> memref<256x64xf32, #tpu.memory_space<hbm>>
      %dma_start3A_445 = arith.constant 0 : i32
      %dma_start3A_446 = arith.constant 0 : i32
      %dma_start3A_447 = tpu.memref_slice %arg6[%dma_start3A_436, %dma_start3A_445, %dma_start3A_446] : memref<3x256x64xf32, #tpu.memory_space<vmem>> -> memref<1x256x64xf32, #tpu.memory_space<vmem>>
      %dma_start3A_448 = tpu.memref_squeeze %dma_start3A_447 : memref<1x256x64xf32, #tpu.memory_space<vmem>> -> memref<256x64xf32, #tpu.memory_space<vmem>>
      tpu.enqueue_dma source(%dma_start3A_448 : memref<256x64xf32, #tpu.memory_space<vmem>>) target(%dma_start3A_444 : memref<256x64xf32, #tpu.memory_space<hbm>>) target_semaphore(%arg11 : memref<!tpu.dma_semaphore, #tpu.memory_space<semaphore_mem>>)
      %add3A_449 = arith.constant 2 : i32
      %add3A_450 = arith.addi %add3A_421, %add3A_449 : i32
      %sub3A_451 = arith.constant 3 : i32
      %sub3A_452 = arith.subi %add3A_450, %sub3A_451 : i32
      %mul3A_453 = arith.constant 256 : i32
      %mul3A_454 = arith.muli %sub3A_452, %mul3A_453 : i32
      %add3A_455 = arith.addi %mul3A_2, %mul3A_454 : i32
      %dma_wait3A_456 = arith.constant 0 : i32
      %dma_wait3A_457 = arith.constant 0 : i32
      %dma_wait3A_458 = arith.constant 0 : i32
      %dma_wait3A_459 = tpu.memref_slice %arg6[%dma_wait3A_456, %dma_wait3A_457, %dma_wait3A_458] : memref<3x256x64xf32, #tpu.memory_space<vmem>> -> memref<1x256x64xf32, #tpu.memory_space<vmem>>
      %dma_wait3A_460 = tpu.memref_squeeze %dma_wait3A_459 : memref<1x256x64xf32, #tpu.memory_space<vmem>> -> memref<256x64xf32, #tpu.memory_space<vmem>>
      %dma_wait3A_461 = arith.constant 0 : i32
      %dma_wait3A_462 = tpu.memref_slice %arg4[%add3A_455, %dma_wait3A_461] : memref<819200x64xf32, #tpu.memory_space<hbm>> -> memref<256x64xf32, #tpu.memory_space<hbm>>
      %dma_wait3A_463 = arith.constant 0 : i32
      %dma_wait3A_464 = tpu.memref_slice %arg4[%add3A_455, %dma_wait3A_463] : memref<819200x64xf32, #tpu.memory_space<hbm>> -> memref<256x64xf32, #tpu.memory_space<hbm>>
      %dma_wait3A_465 = arith.constant 0 : i32
      %dma_wait3A_466 = arith.constant 0 : i32
      %dma_wait3A_467 = tpu.memref_slice %arg6[%dma_wait3A_456, %dma_wait3A_465, %dma_wait3A_466] : memref<3x256x64xf32, #tpu.memory_space<vmem>> -> memref<1x256x64xf32, #tpu.memory_space<vmem>>
      %dma_wait3A_468 = tpu.memref_squeeze %dma_wait3A_467 : memref<1x256x64xf32, #tpu.memory_space<vmem>> -> memref<256x64xf32, #tpu.memory_space<vmem>>
      tpu.wait_dma2 semaphore(%arg10 : memref<!tpu.dma_semaphore, #tpu.memory_space<semaphore_mem>>) src(%dma_wait3A_468 : memref<256x64xf32, #tpu.memory_space<vmem>>) dst(%dma_wait3A_464 : memref<256x64xf32, #tpu.memory_space<hbm>>)
      %mul3A_469 = arith.constant 256 : i32
      %mul3A_470 = arith.muli %add3A_450, %mul3A_469 : i32
      %dma_start3A_471 = arith.constant 0 : i32
      %dma_start3A_472 = arith.constant 0 : i32
      %dma_start3A_473 = arith.constant 0 : i32
      %dma_start3A_474 = tpu.memref_slice %arg6[%dma_start3A_471, %dma_start3A_472, %dma_start3A_473] : memref<3x256x64xf32, #tpu.memory_space<vmem>> -> memref<1x256x64xf32, #tpu.memory_space<vmem>>
      %dma_start3A_475 = tpu.memref_squeeze %dma_start3A_474 : memref<1x256x64xf32, #tpu.memory_space<vmem>> -> memref<256x64xf32, #tpu.memory_space<vmem>>
      %dma_start3A_476 = tpu.memref_slice %arg5[%mul3A_470] : memref<25600xi32, #tpu.memory_space<vmem>> -> memref<256xi32, #tpu.memory_space<vmem>>
      %dma_start3A_477 = arith.constant 0 : i32
      %dma_start3A_478 = arith.constant 0 : i32
      %dma_start3A_479 = tpu.memref_slice %arg2[%dma_start3A_477, %dma_start3A_478] : memref<1000000x64xf32, #tpu.memory_space<hbm>> -> memref<1000000x64xf32, #tpu.memory_space<hbm>>
      tpu.enqueue_indirect_dma source(%dma_start3A_479 : memref<1000000x64xf32, #tpu.memory_space<hbm>>) target(%dma_start3A_475 : memref<256x64xf32, #tpu.memory_space<vmem>>) offsets(%dma_start3A_476 : memref<256xi32, #tpu.memory_space<vmem>>) semaphore(%arg7 : memref<!tpu.dma_semaphore, #tpu.memory_space<semaphore_mem>>)
      %mul3A_480 = arith.constant 3 : i32
      %mul3A_481 = arith.muli %scan3A_356, %mul3A_480 : i32
      %add3A_482 = arith.constant 2 : i32
      %add3A_483 = arith.addi %mul3A_481, %add3A_482 : i32
      %mul3A_484 = arith.constant 256 : i32
      %mul3A_485 = arith.muli %add3A_483, %mul3A_484 : i32
      %dma_wait3A_486 = arith.constant 2 : i32
      %dma_wait3A_487 = arith.constant 0 : i32
      %dma_wait3A_488 = arith.constant 0 : i32
      %dma_wait3A_489 = tpu.memref_slice %arg6[%dma_wait3A_486, %dma_wait3A_487, %dma_wait3A_488] : memref<3x256x64xf32, #tpu.memory_space<vmem>> -> memref<1x256x64xf32, #tpu.memory_space<vmem>>
      %dma_wait3A_490 = tpu.memref_squeeze %dma_wait3A_489 : memref<1x256x64xf32, #tpu.memory_space<vmem>> -> memref<256x64xf32, #tpu.memory_space<vmem>>
      %dma_wait3A_491 = tpu.memref_slice %arg5[%mul3A_485] : memref<25600xi32, #tpu.memory_space<vmem>> -> memref<256xi32, #tpu.memory_space<vmem>>
      %dma_wait3A_492 = arith.constant 0 : i32
      %dma_wait3A_493 = arith.constant 0 : i32
      %dma_wait3A_494 = tpu.memref_slice %arg2[%dma_wait3A_492, %dma_wait3A_493] : memref<1000000x64xf32, #tpu.memory_space<hbm>> -> memref<1000000x64xf32, #tpu.memory_space<hbm>>
      tpu.wait_indirect_dma semaphore(%arg9 : memref<!tpu.dma_semaphore, #tpu.memory_space<semaphore_mem>>) src(%dma_wait3A_494 : memref<1000000x64xf32, #tpu.memory_space<hbm>>) dst(%dma_wait3A_490 : memref<256x64xf32, #tpu.memory_space<vmem>>)
      %mul3A_495 = arith.constant 256 : i32
      %mul3A_496 = arith.muli %add3A_483, %mul3A_495 : i32
      %add3A_497 = arith.addi %mul3A_2, %mul3A_496 : i32
      %dma_start3A_498 = arith.constant 2 : i32
      %dma_start3A_499 = arith.constant 0 : i32
      %dma_start3A_500 = arith.constant 0 : i32
      %dma_start3A_501 = tpu.memref_slice %arg6[%dma_start3A_498, %dma_start3A_499, %dma_start3A_500] : memref<3x256x64xf32, #tpu.memory_space<vmem>> -> memref<1x256x64xf32, #tpu.memory_space<vmem>>
      %dma_start3A_502 = tpu.memref_squeeze %dma_start3A_501 : memref<1x256x64xf32, #tpu.memory_space<vmem>> -> memref<256x64xf32, #tpu.memory_space<vmem>>
      %dma_start3A_503 = arith.constant 0 : i32
      %dma_start3A_504 = tpu.memref_slice %arg4[%add3A_497, %dma_start3A_503] : memref<819200x64xf32, #tpu.memory_space<hbm>> -> memref<256x64xf32, #tpu.memory_space<hbm>>
      %dma_start3A_505 = arith.constant 0 : i32
      %dma_start3A_506 = tpu.memref_slice %arg4[%add3A_497, %dma_start3A_505] : memref<819200x64xf32, #tpu.memory_space<hbm>> -> memref<256x64xf32, #tpu.memory_space<hbm>>
      %dma_start3A_507 = arith.constant 0 : i32
      %dma_start3A_508 = arith.constant 0 : i32
      %dma_start3A_509 = tpu.memref_slice %arg6[%dma_start3A_498, %dma_start3A_507, %dma_start3A_508] : memref<3x256x64xf32, #tpu.memory_space<vmem>> -> memref<1x256x64xf32, #tpu.memory_space<vmem>>
      %dma_start3A_510 = tpu.memref_squeeze %dma_start3A_509 : memref<1x256x64xf32, #tpu.memory_space<vmem>> -> memref<256x64xf32, #tpu.memory_space<vmem>>
      tpu.enqueue_dma source(%dma_start3A_510 : memref<256x64xf32, #tpu.memory_space<vmem>>) target(%dma_start3A_506 : memref<256x64xf32, #tpu.memory_space<hbm>>) target_semaphore(%arg12 : memref<!tpu.dma_semaphore, #tpu.memory_space<semaphore_mem>>)
      %add3A_511 = arith.constant 2 : i32
      %add3A_512 = arith.addi %add3A_483, %add3A_511 : i32
      %sub3A_513 = arith.constant 3 : i32
      %sub3A_514 = arith.subi %add3A_512, %sub3A_513 : i32
      %mul3A_515 = arith.constant 256 : i32
      %mul3A_516 = arith.muli %sub3A_514, %mul3A_515 : i32
      %add3A_517 = arith.addi %mul3A_2, %mul3A_516 : i32
      %dma_wait3A_518 = arith.constant 1 : i32
      %dma_wait3A_519 = arith.constant 0 : i32
      %dma_wait3A_520 = arith.constant 0 : i32
      %dma_wait3A_521 = tpu.memref_slice %arg6[%dma_wait3A_518, %dma_wait3A_519, %dma_wait3A_520] : memref<3x256x64xf32, #tpu.memory_space<vmem>> -> memref<1x256x64xf32, #tpu.memory_space<vmem>>
      %dma_wait3A_522 = tpu.memref_squeeze %dma_wait3A_521 : memref<1x256x64xf32, #tpu.memory_space<vmem>> -> memref<256x64xf32, #tpu.memory_space<vmem>>
      %dma_wait3A_523 = arith.constant 0 : i32
      %dma_wait3A_524 = tpu.memref_slice %arg4[%add3A_517, %dma_wait3A_523] : memref<819200x64xf32, #tpu.memory_space<hbm>> -> memref<256x64xf32, #tpu.memory_space<hbm>>
      %dma_wait3A_525 = arith.constant 0 : i32
      %dma_wait3A_526 = tpu.memref_slice %arg4[%add3A_517, %dma_wait3A_525] : memref<819200x64xf32, #tpu.memory_space<hbm>> -> memref<256x64xf32, #tpu.memory_space<hbm>>
      %dma_wait3A_527 = arith.constant 0 : i32
      %dma_wait3A_528 = arith.constant 0 : i32
      %dma_wait3A_529 = tpu.memref_slice %arg6[%dma_wait3A_518, %dma_wait3A_527, %dma_wait3A_528] : memref<3x256x64xf32, #tpu.memory_space<vmem>> -> memref<1x256x64xf32, #tpu.memory_space<vmem>>
      %dma_wait3A_530 = tpu.memref_squeeze %dma_wait3A_529 : memref<1x256x64xf32, #tpu.memory_space<vmem>> -> memref<256x64xf32, #tpu.memory_space<vmem>>
      tpu.wait_dma2 semaphore(%arg11 : memref<!tpu.dma_semaphore, #tpu.memory_space<semaphore_mem>>) src(%dma_wait3A_530 : memref<256x64xf32, #tpu.memory_space<vmem>>) dst(%dma_wait3A_526 : memref<256x64xf32, #tpu.memory_space<hbm>>)
      %mul3A_531 = arith.constant 256 : i32
      %mul3A_532 = arith.muli %add3A_512, %mul3A_531 : i32
      %dma_start3A_533 = arith.constant 1 : i32
      %dma_start3A_534 = arith.constant 0 : i32
      %dma_start3A_535 = arith.constant 0 : i32
      %dma_start3A_536 = tpu.memref_slice %arg6[%dma_start3A_533, %dma_start3A_534, %dma_start3A_535] : memref<3x256x64xf32, #tpu.memory_space<vmem>> -> memref<1x256x64xf32, #tpu.memory_space<vmem>>
      %dma_start3A_537 = tpu.memref_squeeze %dma_start3A_536 : memref<1x256x64xf32, #tpu.memory_space<vmem>> -> memref<256x64xf32, #tpu.memory_space<vmem>>
      %dma_start3A_538 = tpu.memref_slice %arg5[%mul3A_532] : memref<25600xi32, #tpu.memory_space<vmem>> -> memref<256xi32, #tpu.memory_space<vmem>>
      %dma_start3A_539 = arith.constant 0 : i32
      %dma_start3A_540 = arith.constant 0 : i32
      %dma_start3A_541 = tpu.memref_slice %arg2[%dma_start3A_539, %dma_start3A_540] : memref<1000000x64xf32, #tpu.memory_space<hbm>> -> memref<1000000x64xf32, #tpu.memory_space<hbm>>
      tpu.enqueue_indirect_dma source(%dma_start3A_541 : memref<1000000x64xf32, #tpu.memory_space<hbm>>) target(%dma_start3A_537 : memref<256x64xf32, #tpu.memory_space<vmem>>) offsets(%dma_start3A_538 : memref<256xi32, #tpu.memory_space<vmem>>) semaphore(%arg8 : memref<!tpu.dma_semaphore, #tpu.memory_space<semaphore_mem>>)
    }
    %scan3A_160 = arith.constant 31 : i32
    %dma_wait3A_161 = arith.constant 0 : i32
    %dma_wait3A_162 = arith.constant 0 : i32
    %dma_wait3A_163 = arith.constant 0 : i32
    %dma_wait3A_164 = tpu.memref_slice %arg6[%dma_wait3A_161, %dma_wait3A_162, %dma_wait3A_163] : memref<3x256x64xf32, #tpu.memory_space<vmem>> -> memref<1x256x64xf32, #tpu.memory_space<vmem>>
    %dma_wait3A_165 = tpu.memref_squeeze %dma_wait3A_164 : memref<1x256x64xf32, #tpu.memory_space<vmem>> -> memref<256x64xf32, #tpu.memory_space<vmem>>
    %dma_wait3A_166 = arith.constant 24576 : i32
    %dma_wait3A_167 = tpu.memref_slice %arg5[%dma_wait3A_166] : memref<25600xi32, #tpu.memory_space<vmem>> -> memref<256xi32, #tpu.memory_space<vmem>>
    %dma_wait3A_168 = arith.constant 0 : i32
    %dma_wait3A_169 = arith.constant 0 : i32
    %dma_wait3A_170 = tpu.memref_slice %arg2[%dma_wait3A_168, %dma_wait3A_169] : memref<1000000x64xf32, #tpu.memory_space<hbm>> -> memref<1000000x64xf32, #tpu.memory_space<hbm>>
    tpu.wait_indirect_dma semaphore(%arg7 : memref<!tpu.dma_semaphore, #tpu.memory_space<semaphore_mem>>) src(%dma_wait3A_170 : memref<1000000x64xf32, #tpu.memory_space<hbm>>) dst(%dma_wait3A_165 : memref<256x64xf32, #tpu.memory_space<vmem>>)
    %add3A_171 = arith.constant 24576 : i32
    %add3A_172 = arith.addi %mul3A_2, %add3A_171 : i32
    %dma_start3A_173 = arith.constant 0 : i32
    %dma_start3A_174 = arith.constant 0 : i32
    %dma_start3A_175 = arith.constant 0 : i32
    %dma_start3A_176 = tpu.memref_slice %arg6[%dma_start3A_173, %dma_start3A_174, %dma_start3A_175] : memref<3x256x64xf32, #tpu.memory_space<vmem>> -> memref<1x256x64xf32, #tpu.memory_space<vmem>>
    %dma_start3A_177 = tpu.memref_squeeze %dma_start3A_176 : memref<1x256x64xf32, #tpu.memory_space<vmem>> -> memref<256x64xf32, #tpu.memory_space<vmem>>
    %dma_start3A_178 = arith.constant 0 : i32
    %dma_start3A_179 = tpu.memref_slice %arg4[%add3A_172, %dma_start3A_178] : memref<819200x64xf32, #tpu.memory_space<hbm>> -> memref<256x64xf32, #tpu.memory_space<hbm>>
    %dma_start3A_180 = arith.constant 0 : i32
    %dma_start3A_181 = tpu.memref_slice %arg4[%add3A_172, %dma_start3A_180] : memref<819200x64xf32, #tpu.memory_space<hbm>> -> memref<256x64xf32, #tpu.memory_space<hbm>>
    %dma_start3A_182 = arith.constant 0 : i32
    %dma_start3A_183 = arith.constant 0 : i32
    %dma_start3A_184 = tpu.memref_slice %arg6[%dma_start3A_173, %dma_start3A_182, %dma_start3A_183] : memref<3x256x64xf32, #tpu.memory_space<vmem>> -> memref<1x256x64xf32, #tpu.memory_space<vmem>>
    %dma_start3A_185 = tpu.memref_squeeze %dma_start3A_184 : memref<1x256x64xf32, #tpu.memory_space<vmem>> -> memref<256x64xf32, #tpu.memory_space<vmem>>
    tpu.enqueue_dma source(%dma_start3A_185 : memref<256x64xf32, #tpu.memory_space<vmem>>) target(%dma_start3A_181 : memref<256x64xf32, #tpu.memory_space<hbm>>) target_semaphore(%arg10 : memref<!tpu.dma_semaphore, #tpu.memory_space<semaphore_mem>>)
    %add3A_186 = arith.constant 24320 : i32
    %add3A_187 = arith.addi %mul3A_2, %add3A_186 : i32
    %dma_wait3A_188 = arith.constant 2 : i32
    %dma_wait3A_189 = arith.constant 0 : i32
    %dma_wait3A_190 = arith.constant 0 : i32
    %dma_wait3A_191 = tpu.memref_slice %arg6[%dma_wait3A_188, %dma_wait3A_189, %dma_wait3A_190] : memref<3x256x64xf32, #tpu.memory_space<vmem>> -> memref<1x256x64xf32, #tpu.memory_space<vmem>>
    %dma_wait3A_192 = tpu.memref_squeeze %dma_wait3A_191 : memref<1x256x64xf32, #tpu.memory_space<vmem>> -> memref<256x64xf32, #tpu.memory_space<vmem>>
    %dma_wait3A_193 = arith.constant 0 : i32
    %dma_wait3A_194 = tpu.memref_slice %arg4[%add3A_187, %dma_wait3A_193] : memref<819200x64xf32, #tpu.memory_space<hbm>> -> memref<256x64xf32, #tpu.memory_space<hbm>>
    %dma_wait3A_195 = arith.constant 0 : i32
    %dma_wait3A_196 = tpu.memref_slice %arg4[%add3A_187, %dma_wait3A_195] : memref<819200x64xf32, #tpu.memory_space<hbm>> -> memref<256x64xf32, #tpu.memory_space<hbm>>
    %dma_wait3A_197 = arith.constant 0 : i32
    %dma_wait3A_198 = arith.constant 0 : i32
    %dma_wait3A_199 = tpu.memref_slice %arg6[%dma_wait3A_188, %dma_wait3A_197, %dma_wait3A_198] : memref<3x256x64xf32, #tpu.memory_space<vmem>> -> memref<1x256x64xf32, #tpu.memory_space<vmem>>
    %dma_wait3A_200 = tpu.memref_squeeze %dma_wait3A_199 : memref<1x256x64xf32, #tpu.memory_space<vmem>> -> memref<256x64xf32, #tpu.memory_space<vmem>>
    tpu.wait_dma2 semaphore(%arg12 : memref<!tpu.dma_semaphore, #tpu.memory_space<semaphore_mem>>) src(%dma_wait3A_200 : memref<256x64xf32, #tpu.memory_space<vmem>>) dst(%dma_wait3A_196 : memref<256x64xf32, #tpu.memory_space<hbm>>)
    %dma_start3A_201 = arith.constant 2 : i32
    %dma_start3A_202 = arith.constant 0 : i32
    %dma_start3A_203 = arith.constant 0 : i32
    %dma_start3A_204 = tpu.memref_slice %arg6[%dma_start3A_201, %dma_start3A_202, %dma_start3A_203] : memref<3x256x64xf32, #tpu.memory_space<vmem>> -> memref<1x256x64xf32, #tpu.memory_space<vmem>>
    %dma_start3A_205 = tpu.memref_squeeze %dma_start3A_204 : memref<1x256x64xf32, #tpu.memory_space<vmem>> -> memref<256x64xf32, #tpu.memory_space<vmem>>
    %dma_start3A_206 = arith.constant 25088 : i32
    %dma_start3A_207 = tpu.memref_slice %arg5[%dma_start3A_206] : memref<25600xi32, #tpu.memory_space<vmem>> -> memref<256xi32, #tpu.memory_space<vmem>>
    %dma_start3A_208 = arith.constant 0 : i32
    %dma_start3A_209 = arith.constant 0 : i32
    %dma_start3A_210 = tpu.memref_slice %arg2[%dma_start3A_208, %dma_start3A_209] : memref<1000000x64xf32, #tpu.memory_space<hbm>> -> memref<1000000x64xf32, #tpu.memory_space<hbm>>
    tpu.enqueue_indirect_dma source(%dma_start3A_210 : memref<1000000x64xf32, #tpu.memory_space<hbm>>) target(%dma_start3A_205 : memref<256x64xf32, #tpu.memory_space<vmem>>) offsets(%dma_start3A_207 : memref<256xi32, #tpu.memory_space<vmem>>) semaphore(%arg9 : memref<!tpu.dma_semaphore, #tpu.memory_space<semaphore_mem>>)
    %dma_wait3A_211 = arith.constant 1 : i32
    %dma_wait3A_212 = arith.constant 0 : i32
    %dma_wait3A_213 = arith.constant 0 : i32
    %dma_wait3A_214 = tpu.memref_slice %arg6[%dma_wait3A_211, %dma_wait3A_212, %dma_wait3A_213] : memref<3x256x64xf32, #tpu.memory_space<vmem>> -> memref<1x256x64xf32, #tpu.memory_space<vmem>>
    %dma_wait3A_215 = tpu.memref_squeeze %dma_wait3A_214 : memref<1x256x64xf32, #tpu.memory_space<vmem>> -> memref<256x64xf32, #tpu.memory_space<vmem>>
    %dma_wait3A_216 = arith.constant 24832 : i32
    %dma_wait3A_217 = tpu.memref_slice %arg5[%dma_wait3A_216] : memref<25600xi32, #tpu.memory_space<vmem>> -> memref<256xi32, #tpu.memory_space<vmem>>
    %dma_wait3A_218 = arith.constant 0 : i32
    %dma_wait3A_219 = arith.constant 0 : i32
    %dma_wait3A_220 = tpu.memref_slice %arg2[%dma_wait3A_218, %dma_wait3A_219] : memref<1000000x64xf32, #tpu.memory_space<hbm>> -> memref<1000000x64xf32, #tpu.memory_space<hbm>>
    tpu.wait_indirect_dma semaphore(%arg8 : memref<!tpu.dma_semaphore, #tpu.memory_space<semaphore_mem>>) src(%dma_wait3A_220 : memref<1000000x64xf32, #tpu.memory_space<hbm>>) dst(%dma_wait3A_215 : memref<256x64xf32, #tpu.memory_space<vmem>>)
    %add3A_221 = arith.constant 24832 : i32
    %add3A_222 = arith.addi %mul3A_2, %add3A_221 : i32
    %dma_start3A_223 = arith.constant 1 : i32
    %dma_start3A_224 = arith.constant 0 : i32
    %dma_start3A_225 = arith.constant 0 : i32
    %dma_start3A_226 = tpu.memref_slice %arg6[%dma_start3A_223, %dma_start3A_224, %dma_start3A_225] : memref<3x256x64xf32, #tpu.memory_space<vmem>> -> memref<1x256x64xf32, #tpu.memory_space<vmem>>
    %dma_start3A_227 = tpu.memref_squeeze %dma_start3A_226 : memref<1x256x64xf32, #tpu.memory_space<vmem>> -> memref<256x64xf32, #tpu.memory_space<vmem>>
    %dma_start3A_228 = arith.constant 0 : i32
    %dma_start3A_229 = tpu.memref_slice %arg4[%add3A_222, %dma_start3A_228] : memref<819200x64xf32, #tpu.memory_space<hbm>> -> memref<256x64xf32, #tpu.memory_space<hbm>>
    %dma_start3A_230 = arith.constant 0 : i32
    %dma_start3A_231 = tpu.memref_slice %arg4[%add3A_222, %dma_start3A_230] : memref<819200x64xf32, #tpu.memory_space<hbm>> -> memref<256x64xf32, #tpu.memory_space<hbm>>
    %dma_start3A_232 = arith.constant 0 : i32
    %dma_start3A_233 = arith.constant 0 : i32
    %dma_start3A_234 = tpu.memref_slice %arg6[%dma_start3A_223, %dma_start3A_232, %dma_start3A_233] : memref<3x256x64xf32, #tpu.memory_space<vmem>> -> memref<1x256x64xf32, #tpu.memory_space<vmem>>
    %dma_start3A_235 = tpu.memref_squeeze %dma_start3A_234 : memref<1x256x64xf32, #tpu.memory_space<vmem>> -> memref<256x64xf32, #tpu.memory_space<vmem>>
    tpu.enqueue_dma source(%dma_start3A_235 : memref<256x64xf32, #tpu.memory_space<vmem>>) target(%dma_start3A_231 : memref<256x64xf32, #tpu.memory_space<hbm>>) target_semaphore(%arg11 : memref<!tpu.dma_semaphore, #tpu.memory_space<semaphore_mem>>)
    %add3A_236 = arith.constant 24576 : i32
    %add3A_237 = arith.addi %mul3A_2, %add3A_236 : i32
    %dma_wait3A_238 = arith.constant 0 : i32
    %dma_wait3A_239 = arith.constant 0 : i32
    %dma_wait3A_240 = arith.constant 0 : i32
    %dma_wait3A_241 = tpu.memref_slice %arg6[%dma_wait3A_238, %dma_wait3A_239, %dma_wait3A_240] : memref<3x256x64xf32, #tpu.memory_space<vmem>> -> memref<1x256x64xf32, #tpu.memory_space<vmem>>
    %dma_wait3A_242 = tpu.memref_squeeze %dma_wait3A_241 : memref<1x256x64xf32, #tpu.memory_space<vmem>> -> memref<256x64xf32, #tpu.memory_space<vmem>>
    %dma_wait3A_243 = arith.constant 0 : i32
    %dma_wait3A_244 = tpu.memref_slice %arg4[%add3A_237, %dma_wait3A_243] : memref<819200x64xf32, #tpu.memory_space<hbm>> -> memref<256x64xf32, #tpu.memory_space<hbm>>
    %dma_wait3A_245 = arith.constant 0 : i32
    %dma_wait3A_246 = tpu.memref_slice %arg4[%add3A_237, %dma_wait3A_245] : memref<819200x64xf32, #tpu.memory_space<hbm>> -> memref<256x64xf32, #tpu.memory_space<hbm>>
    %dma_wait3A_247 = arith.constant 0 : i32
    %dma_wait3A_248 = arith.constant 0 : i32
    %dma_wait3A_249 = tpu.memref_slice %arg6[%dma_wait3A_238, %dma_wait3A_247, %dma_wait3A_248] : memref<3x256x64xf32, #tpu.memory_space<vmem>> -> memref<1x256x64xf32, #tpu.memory_space<vmem>>
    %dma_wait3A_250 = tpu.memref_squeeze %dma_wait3A_249 : memref<1x256x64xf32, #tpu.memory_space<vmem>> -> memref<256x64xf32, #tpu.memory_space<vmem>>
    tpu.wait_dma2 semaphore(%arg10 : memref<!tpu.dma_semaphore, #tpu.memory_space<semaphore_mem>>) src(%dma_wait3A_250 : memref<256x64xf32, #tpu.memory_space<vmem>>) dst(%dma_wait3A_246 : memref<256x64xf32, #tpu.memory_space<hbm>>)
    %dma_start3A_251 = arith.constant 0 : i32
    %dma_start3A_252 = arith.constant 0 : i32
    %dma_start3A_253 = arith.constant 0 : i32
    %dma_start3A_254 = tpu.memref_slice %arg6[%dma_start3A_251, %dma_start3A_252, %dma_start3A_253] : memref<3x256x64xf32, #tpu.memory_space<vmem>> -> memref<1x256x64xf32, #tpu.memory_space<vmem>>
    %dma_start3A_255 = tpu.memref_squeeze %dma_start3A_254 : memref<1x256x64xf32, #tpu.memory_space<vmem>> -> memref<256x64xf32, #tpu.memory_space<vmem>>
    %dma_start3A_256 = arith.constant 25344 : i32
    %dma_start3A_257 = tpu.memref_slice %arg5[%dma_start3A_256] : memref<25600xi32, #tpu.memory_space<vmem>> -> memref<256xi32, #tpu.memory_space<vmem>>
    %dma_start3A_258 = arith.constant 0 : i32
    %dma_start3A_259 = arith.constant 0 : i32
    %dma_start3A_260 = tpu.memref_slice %arg2[%dma_start3A_258, %dma_start3A_259] : memref<1000000x64xf32, #tpu.memory_space<hbm>> -> memref<1000000x64xf32, #tpu.memory_space<hbm>>
    tpu.enqueue_indirect_dma source(%dma_start3A_260 : memref<1000000x64xf32, #tpu.memory_space<hbm>>) target(%dma_start3A_255 : memref<256x64xf32, #tpu.memory_space<vmem>>) offsets(%dma_start3A_257 : memref<256xi32, #tpu.memory_space<vmem>>) semaphore(%arg7 : memref<!tpu.dma_semaphore, #tpu.memory_space<semaphore_mem>>)
    %dma_wait3A_261 = arith.constant 2 : i32
    %dma_wait3A_262 = arith.constant 0 : i32
    %dma_wait3A_263 = arith.constant 0 : i32
    %dma_wait3A_264 = tpu.memref_slice %arg6[%dma_wait3A_261, %dma_wait3A_262, %dma_wait3A_263] : memref<3x256x64xf32, #tpu.memory_space<vmem>> -> memref<1x256x64xf32, #tpu.memory_space<vmem>>
    %dma_wait3A_265 = tpu.memref_squeeze %dma_wait3A_264 : memref<1x256x64xf32, #tpu.memory_space<vmem>> -> memref<256x64xf32, #tpu.memory_space<vmem>>
    %dma_wait3A_266 = arith.constant 25088 : i32
    %dma_wait3A_267 = tpu.memref_slice %arg5[%dma_wait3A_266] : memref<25600xi32, #tpu.memory_space<vmem>> -> memref<256xi32, #tpu.memory_space<vmem>>
    %dma_wait3A_268 = arith.constant 0 : i32
    %dma_wait3A_269 = arith.constant 0 : i32
    %dma_wait3A_270 = tpu.memref_slice %arg2[%dma_wait3A_268, %dma_wait3A_269] : memref<1000000x64xf32, #tpu.memory_space<hbm>> -> memref<1000000x64xf32, #tpu.memory_space<hbm>>
    tpu.wait_indirect_dma semaphore(%arg9 : memref<!tpu.dma_semaphore, #tpu.memory_space<semaphore_mem>>) src(%dma_wait3A_270 : memref<1000000x64xf32, #tpu.memory_space<hbm>>) dst(%dma_wait3A_265 : memref<256x64xf32, #tpu.memory_space<vmem>>)
    %add3A_271 = arith.constant 25088 : i32
    %add3A_272 = arith.addi %mul3A_2, %add3A_271 : i32
    %dma_start3A_273 = arith.constant 2 : i32
    %dma_start3A_274 = arith.constant 0 : i32
    %dma_start3A_275 = arith.constant 0 : i32
    %dma_start3A_276 = tpu.memref_slice %arg6[%dma_start3A_273, %dma_start3A_274, %dma_start3A_275] : memref<3x256x64xf32, #tpu.memory_space<vmem>> -> memref<1x256x64xf32, #tpu.memory_space<vmem>>
    %dma_start3A_277 = tpu.memref_squeeze %dma_start3A_276 : memref<1x256x64xf32, #tpu.memory_space<vmem>> -> memref<256x64xf32, #tpu.memory_space<vmem>>
    %dma_start3A_278 = arith.constant 0 : i32
    %dma_start3A_279 = tpu.memref_slice %arg4[%add3A_272, %dma_start3A_278] : memref<819200x64xf32, #tpu.memory_space<hbm>> -> memref<256x64xf32, #tpu.memory_space<hbm>>
    %dma_start3A_280 = arith.constant 0 : i32
    %dma_start3A_281 = tpu.memref_slice %arg4[%add3A_272, %dma_start3A_280] : memref<819200x64xf32, #tpu.memory_space<hbm>> -> memref<256x64xf32, #tpu.memory_space<hbm>>
    %dma_start3A_282 = arith.constant 0 : i32
    %dma_start3A_283 = arith.constant 0 : i32
    %dma_start3A_284 = tpu.memref_slice %arg6[%dma_start3A_273, %dma_start3A_282, %dma_start3A_283] : memref<3x256x64xf32, #tpu.memory_space<vmem>> -> memref<1x256x64xf32, #tpu.memory_space<vmem>>
    %dma_start3A_285 = tpu.memref_squeeze %dma_start3A_284 : memref<1x256x64xf32, #tpu.memory_space<vmem>> -> memref<256x64xf32, #tpu.memory_space<vmem>>
    tpu.enqueue_dma source(%dma_start3A_285 : memref<256x64xf32, #tpu.memory_space<vmem>>) target(%dma_start3A_281 : memref<256x64xf32, #tpu.memory_space<hbm>>) target_semaphore(%arg12 : memref<!tpu.dma_semaphore, #tpu.memory_space<semaphore_mem>>)
    %dma_wait3A_286 = arith.constant 0 : i32
    %dma_wait3A_287 = arith.constant 0 : i32
    %dma_wait3A_288 = arith.constant 0 : i32
    %dma_wait3A_289 = tpu.memref_slice %arg6[%dma_wait3A_286, %dma_wait3A_287, %dma_wait3A_288] : memref<3x256x64xf32, #tpu.memory_space<vmem>> -> memref<1x256x64xf32, #tpu.memory_space<vmem>>
    %dma_wait3A_290 = tpu.memref_squeeze %dma_wait3A_289 : memref<1x256x64xf32, #tpu.memory_space<vmem>> -> memref<256x64xf32, #tpu.memory_space<vmem>>
    %dma_wait3A_291 = arith.constant 25344 : i32
    %dma_wait3A_292 = tpu.memref_slice %arg5[%dma_wait3A_291] : memref<25600xi32, #tpu.memory_space<vmem>> -> memref<256xi32, #tpu.memory_space<vmem>>
    %dma_wait3A_293 = arith.constant 0 : i32
    %dma_wait3A_294 = arith.constant 0 : i32
    %dma_wait3A_295 = tpu.memref_slice %arg2[%dma_wait3A_293, %dma_wait3A_294] : memref<1000000x64xf32, #tpu.memory_space<hbm>> -> memref<1000000x64xf32, #tpu.memory_space<hbm>>
    tpu.wait_indirect_dma semaphore(%arg7 : memref<!tpu.dma_semaphore, #tpu.memory_space<semaphore_mem>>) src(%dma_wait3A_295 : memref<1000000x64xf32, #tpu.memory_space<hbm>>) dst(%dma_wait3A_290 : memref<256x64xf32, #tpu.memory_space<vmem>>)
    %add3A_296 = arith.constant 25344 : i32
    %add3A_297 = arith.addi %mul3A_2, %add3A_296 : i32
    %dma_start3A_298 = arith.constant 0 : i32
    %dma_start3A_299 = arith.constant 0 : i32
    %dma_start3A_300 = arith.constant 0 : i32
    %dma_start3A_301 = tpu.memref_slice %arg6[%dma_start3A_298, %dma_start3A_299, %dma_start3A_300] : memref<3x256x64xf32, #tpu.memory_space<vmem>> -> memref<1x256x64xf32, #tpu.memory_space<vmem>>
    %dma_start3A_302 = tpu.memref_squeeze %dma_start3A_301 : memref<1x256x64xf32, #tpu.memory_space<vmem>> -> memref<256x64xf32, #tpu.memory_space<vmem>>
    %dma_start3A_303 = arith.constant 0 : i32
    %dma_start3A_304 = tpu.memref_slice %arg4[%add3A_297, %dma_start3A_303] : memref<819200x64xf32, #tpu.memory_space<hbm>> -> memref<256x64xf32, #tpu.memory_space<hbm>>
    %dma_start3A_305 = arith.constant 0 : i32
    %dma_start3A_306 = tpu.memref_slice %arg4[%add3A_297, %dma_start3A_305] : memref<819200x64xf32, #tpu.memory_space<hbm>> -> memref<256x64xf32, #tpu.memory_space<hbm>>
    %dma_start3A_307 = arith.constant 0 : i32
    %dma_start3A_308 = arith.constant 0 : i32
    %dma_start3A_309 = tpu.memref_slice %arg6[%dma_start3A_298, %dma_start3A_307, %dma_start3A_308] : memref<3x256x64xf32, #tpu.memory_space<vmem>> -> memref<1x256x64xf32, #tpu.memory_space<vmem>>
    %dma_start3A_310 = tpu.memref_squeeze %dma_start3A_309 : memref<1x256x64xf32, #tpu.memory_space<vmem>> -> memref<256x64xf32, #tpu.memory_space<vmem>>
    tpu.enqueue_dma source(%dma_start3A_310 : memref<256x64xf32, #tpu.memory_space<vmem>>) target(%dma_start3A_306 : memref<256x64xf32, #tpu.memory_space<hbm>>) target_semaphore(%arg10 : memref<!tpu.dma_semaphore, #tpu.memory_space<semaphore_mem>>)
    %add3A_311 = arith.constant 24832 : i32
    %add3A_312 = arith.addi %mul3A_2, %add3A_311 : i32
    %dma_wait3A_313 = arith.constant 1 : i32
    %dma_wait3A_314 = arith.constant 0 : i32
    %dma_wait3A_315 = arith.constant 0 : i32
    %dma_wait3A_316 = tpu.memref_slice %arg6[%dma_wait3A_313, %dma_wait3A_314, %dma_wait3A_315] : memref<3x256x64xf32, #tpu.memory_space<vmem>> -> memref<1x256x64xf32, #tpu.memory_space<vmem>>
    %dma_wait3A_317 = tpu.memref_squeeze %dma_wait3A_316 : memref<1x256x64xf32, #tpu.memory_space<vmem>> -> memref<256x64xf32, #tpu.memory_space<vmem>>
    %dma_wait3A_318 = arith.constant 0 : i32
    %dma_wait3A_319 = tpu.memref_slice %arg4[%add3A_312, %dma_wait3A_318] : memref<819200x64xf32, #tpu.memory_space<hbm>> -> memref<256x64xf32, #tpu.memory_space<hbm>>
    %dma_wait3A_320 = arith.constant 0 : i32
    %dma_wait3A_321 = tpu.memref_slice %arg4[%add3A_312, %dma_wait3A_320] : memref<819200x64xf32, #tpu.memory_space<hbm>> -> memref<256x64xf32, #tpu.memory_space<hbm>>
    %dma_wait3A_322 = arith.constant 0 : i32
    %dma_wait3A_323 = arith.constant 0 : i32
    %dma_wait3A_324 = tpu.memref_slice %arg6[%dma_wait3A_313, %dma_wait3A_322, %dma_wait3A_323] : memref<3x256x64xf32, #tpu.memory_space<vmem>> -> memref<1x256x64xf32, #tpu.memory_space<vmem>>
    %dma_wait3A_325 = tpu.memref_squeeze %dma_wait3A_324 : memref<1x256x64xf32, #tpu.memory_space<vmem>> -> memref<256x64xf32, #tpu.memory_space<vmem>>
    tpu.wait_dma2 semaphore(%arg11 : memref<!tpu.dma_semaphore, #tpu.memory_space<semaphore_mem>>) src(%dma_wait3A_325 : memref<256x64xf32, #tpu.memory_space<vmem>>) dst(%dma_wait3A_321 : memref<256x64xf32, #tpu.memory_space<hbm>>)
    %add3A_326 = arith.constant 25088 : i32
    %add3A_327 = arith.addi %mul3A_2, %add3A_326 : i32
    %dma_wait3A_328 = arith.constant 2 : i32
    %dma_wait3A_329 = arith.constant 0 : i32
    %dma_wait3A_330 = arith.constant 0 : i32
    %dma_wait3A_331 = tpu.memref_slice %arg6[%dma_wait3A_328, %dma_wait3A_329, %dma_wait3A_330] : memref<3x256x64xf32, #tpu.memory_space<vmem>> -> memref<1x256x64xf32, #tpu.memory_space<vmem>>
    %dma_wait3A_332 = tpu.memref_squeeze %dma_wait3A_331 : memref<1x256x64xf32, #tpu.memory_space<vmem>> -> memref<256x64xf32, #tpu.memory_space<vmem>>
    %dma_wait3A_333 = arith.constant 0 : i32
    %dma_wait3A_334 = tpu.memref_slice %arg4[%add3A_327, %dma_wait3A_333] : memref<819200x64xf32, #tpu.memory_space<hbm>> -> memref<256x64xf32, #tpu.memory_space<hbm>>
    %dma_wait3A_335 = arith.constant 0 : i32
    %dma_wait3A_336 = tpu.memref_slice %arg4[%add3A_327, %dma_wait3A_335] : memref<819200x64xf32, #tpu.memory_space<hbm>> -> memref<256x64xf32, #tpu.memory_space<hbm>>
    %dma_wait3A_337 = arith.constant 0 : i32
    %dma_wait3A_338 = arith.constant 0 : i32
    %dma_wait3A_339 = tpu.memref_slice %arg6[%dma_wait3A_328, %dma_wait3A_337, %dma_wait3A_338] : memref<3x256x64xf32, #tpu.memory_space<vmem>> -> memref<1x256x64xf32, #tpu.memory_space<vmem>>
    %dma_wait3A_340 = tpu.memref_squeeze %dma_wait3A_339 : memref<1x256x64xf32, #tpu.memory_space<vmem>> -> memref<256x64xf32, #tpu.memory_space<vmem>>
    tpu.wait_dma2 semaphore(%arg12 : memref<!tpu.dma_semaphore, #tpu.memory_space<semaphore_mem>>) src(%dma_wait3A_340 : memref<256x64xf32, #tpu.memory_space<vmem>>) dst(%dma_wait3A_336 : memref<256x64xf32, #tpu.memory_space<hbm>>)
    %add3A_341 = arith.constant 25344 : i32
    %add3A_342 = arith.addi %mul3A_2, %add3A_341 : i32
    %dma_wait3A_343 = arith.constant 0 : i32
    %dma_wait3A_344 = arith.constant 0 : i32
    %dma_wait3A_345 = arith.constant 0 : i32
    %dma_wait3A_346 = tpu.memref_slice %arg6[%dma_wait3A_343, %dma_wait3A_344, %dma_wait3A_345] : memref<3x256x64xf32, #tpu.memory_space<vmem>> -> memref<1x256x64xf32, #tpu.memory_space<vmem>>
    %dma_wait3A_347 = tpu.memref_squeeze %dma_wait3A_346 : memref<1x256x64xf32, #tpu.memory_space<vmem>> -> memref<256x64xf32, #tpu.memory_space<vmem>>
    %dma_wait3A_348 = arith.constant 0 : i32
    %dma_wait3A_349 = tpu.memref_slice %arg4[%add3A_342, %dma_wait3A_348] : memref<819200x64xf32, #tpu.memory_space<hbm>> -> memref<256x64xf32, #tpu.memory_space<hbm>>
    %dma_wait3A_350 = arith.constant 0 : i32
    %dma_wait3A_351 = tpu.memref_slice %arg4[%add3A_342, %dma_wait3A_350] : memref<819200x64xf32, #tpu.memory_space<hbm>> -> memref<256x64xf32, #tpu.memory_space<hbm>>
    %dma_wait3A_352 = arith.constant 0 : i32
    %dma_wait3A_353 = arith.constant 0 : i32
    %dma_wait3A_354 = tpu.memref_slice %arg6[%dma_wait3A_343, %dma_wait3A_352, %dma_wait3A_353] : memref<3x256x64xf32, #tpu.memory_space<vmem>> -> memref<1x256x64xf32, #tpu.memory_space<vmem>>
    %dma_wait3A_355 = tpu.memref_squeeze %dma_wait3A_354 : memref<1x256x64xf32, #tpu.memory_space<vmem>> -> memref<256x64xf32, #tpu.memory_space<vmem>>
    tpu.wait_dma2 semaphore(%arg10 : memref<!tpu.dma_semaphore, #tpu.memory_space<semaphore_mem>>) src(%dma_wait3A_355 : memref<256x64xf32, #tpu.memory_space<vmem>>) dst(%dma_wait3A_351 : memref<256x64xf32, #tpu.memory_space<hbm>>)
    return
  }
}

</mosaic_0001>

<sc_bundles>
// kernel: _run.3.cloned.1.call-start
scs
__scs_entry_jumppad:
0x0: {  	(pc) =	sbr.rel $0x88, $3  }
0x1: {  	(tag) =	ssettag $0x0;
	lr =	simm.s32 $0x1  }
0x2: {  	[smem:$0x3F9F] =	sst lr;
	_ =	strace $0xD0000000  }
0x3: {  	_ = 	snop  }
0x4: {  	_ = 	snop  }
0x5: {  	_ = 	snop  }
0x6: {  	_ = 	snop  }
0x7: {  	_ = 	snop  }
__scs_overlays_trampoline_lowered:
0x8: {  	[smem:$0x3FAE] =	sst s0  }
0x9: {  	[smem:$0x3FAF] =	sst s1  }
0xa: {  	[smem:$0x3FB0] =	sst s2  }
0xb: {  	[smem:$0x3FB1] =	sst s3  }
0xc: {  	[smem:$0x3FB2] =	sst s4  }
0xd: {  	[smem:$0x3FB3] =	sst s5  }
0xe: {  	[smem:$0x3FB4] =	sst s6  }
0xf: {  	[smem:$0x3FB5] =	sst s7  }
0x10: {  	[smem:$0x3FB6] =	sst s8  }
0x11: {  	[smem:$0x3FB7] =	sst s9;
	s0 =	simm.s32 @!p0 $0x0  }
0x12: {  	s1 =	sld [smem:$0x3F9D];
	s0 =	simm.s32 @p0 $0x1  }
0x13: {  	[smem:$0x3FB8] =	sst s0;
	s0 =	simm.s32 @!p1 $0x0  }
0x14: {  	s2 =	sld [smem:$0x3F9C];
	s0 =	simm.s32 @p1 $0x1  }
0x15: {  	[smem:$0x3FB9] =	sst s0;
	s0 =	simm.s32 @!p2 $0x0  }
0x16: {  	s3 =	sld [smem:$0x3FDB];
	s0 =	simm.s32 @p2 $0x1  }
0x17: {  	s4 =	simm.s32 $0x1BF5;
	[smem:$0x3FBB] =	sst s0  }
0x18: {  	s0 =	sld [smem:$0x3F9E];
	_ =	swait.ge [sflag:s4], $0x0  }
0x19: {  	s7 =	sld [smem:$0x3F9F]  }
0x1a: {  	s8 =	sadd.s32 $0xFFFFE003, lr  }
0x1b: {  	s9 =	sadd.s32 $0xFFFFFEF7, lr;
	s5 =	simm.s32 $0xFFFFFFFF;
	p2 =	slt.u32 s8, $0xFFFFF086  }
0x1c: {  	p1 =	slt.u32 s9, $0xF7A;
	s5 =	simm.s32 @!p2 $0x0  }
0x1d: {  	s5 =	simm.s32 @p1 $0x1;
	p0 =	seq.s32 s7, s2  }
0x1e: {  	s7 =	smul.u32 @!p0 $0xF7A, s2;
	p2 =	seq.s32 @!p0 s5, $0x0  }
0x1f: {  	s9 =	smul.u32 $0xF7A, s1;
	s8 =	simm.s32 @!p0 $0x1BF5;
	p2 =	por !p2, p0  }
0x20: {  	[sflag:s8] =	ssyncset.s32 @!p0 $0xFFFFF086;
	s6 =	sadd.s32 @!p0 s3, s7;
	s7 =	simm.s32 @!p0 $0x108  }
0x21: {  	s3 =	sadd.s32 s3, s9;
	s6 =	sadd.s32 @!p0 $0x88, s6;
	s7 =	simm.s32 @p2 $0x1082  }
0x22: {  	[simem:s7], [sflag:s8] =	dma.local @!p0 [hbm:s6], $0xF7A  }
0x23: {  	s9 =	sor.u32 $0xD0000000, s2;
	s6 =	simm.s32 $0x108;
	_ =	swait.ge @!p0 [sflag:s8], $0x0  }
0x24: {  	s3 =	sadd.s32 $0x88, s3;
	s6 =	simm.s32 @!p1 $0x1082;
	[sflag:s4] =	ssyncset.s32 $0xFFFFF086  }
0x25: {  	[simem:s6], [sflag:s4] =	dma.local [hbm:s3], $0xF7A  }
0x26: {  	[smem:$0x3F9F] =	sst s1;
	(tag) =	ssettag s2;
	_ =	strace s9  }
0x27: {  	s1 =	sld [smem:$0x3FAF]  }
0x28: {  	s2 =	sld [smem:$0x3FB0]  }
0x29: {  	s4 =	sld [smem:$0x3FB2]  }
0x2a: {  	p0 =	seq.s32 s5, $0x0;
	s5 =	sld [smem:$0x3FB3]  }
0x2b: {  	s6 =	sld [smem:$0x3FB4]  }
0x2c: {  	s7 =	sld [smem:$0x3FB5]  }
0x2d: {  	s3 =	simm.s32 $0x108;
	s8 =	sld [smem:$0x3FB6]  }
0x2e: {  	s3 =	simm.s32 @!p0 $0x1082;
	s9 =	sld [smem:$0x3FB7]  }
0x2f: {  	lr =	sadd.s32 s0, s3;
	s0 =	sld [smem:$0x3FAE]  }
0x30: {  	s3 =	sld [smem:$0x3FB1]  }
0x31: {  	[smem:$0x3FBA] =	sst s10  }
0x32: {  	s10 =	sld [smem:$0x3FB8];
	_ =	sdelay $0x3  }
0x33: {  	p0 =	seq.s32 s10, $0x1;
	s10 =	sld [smem:$0x3FBA];
	_ =	sdelay $0x3  }
0x34: {  	[smem:$0x3FBA] =	sst s10  }
0x35: {  	s10 =	sld [smem:$0x3FB9];
	_ =	sdelay $0x3  }
0x36: {  	p1 =	seq.s32 s10, $0x1;
	s10 =	sld [smem:$0x3FBA];
	_ =	sdelay $0x3  }
0x37: {  	[smem:$0x3FBA] =	sst s10  }
0x38: {  	s10 =	sld [smem:$0x3FBB]  }
0x39: {  	_ = 	snop;
	(pc) =	sbr.ind lr, $3  }
0x3a: {  	_ = 	snop  }
0x3b: {  	_ = 	snop  }
0x3c: {  	p2 =	seq.s32 s10, $0x1;
	s10 =	sld [smem:$0x3FBA]  }
0x3d: {  	_ =	shalt  }
0x3e: {  	_ =	shalt  }
0x3f: {  	_ =	shalt  }
0x40: {  	_ =	shalt  }
0x41: {  	_ =	shalt  }
0x42: {  	_ =	shalt  }
0x43: {  	_ =	shalt  }
0x44: {  	_ =	shalt  }
0x45: {  	_ =	shalt  }
0x46: {  	_ =	shalt  }
0x47: {  	_ =	shalt  }
0x48: {  	_ =	shalt  }
0x49: {  	_ =	shalt  }
0x4a: {  	_ =	shalt  }
0x4b: {  	_ =	shalt  }
0x4c: {  	_ =	shalt  }
0x4d: {  	_ =	shalt  }
0x4e: {  	_ =	shalt  }
0x4f: {  	_ =	shalt  }
0x50: {  	_ =	shalt  }
0x51: {  	_ =	shalt  }
0x52: {  	_ =	shalt  }
0x53: {  	_ =	shalt  }
0x54: {  	_ =	shalt  }
0x55: {  	_ =	shalt  }
0x56: {  	_ =	shalt  }
0x57: {  	_ =	shalt  }
0x58: {  	_ =	shalt  }
0x59: {  	_ =	shalt  }
0x5a: {  	_ =	shalt  }
0x5b: {  	_ =	shalt  }
0x5c: {  	_ =	shalt  }
0x5d: {  	_ =	shalt  }
0x5e: {  	_ =	shalt  }
0x5f: {  	_ =	shalt  }
0x60: {  	_ =	shalt  }
0x61: {  	_ =	shalt  }
0x62: {  	_ =	shalt  }
0x63: {  	_ =	shalt  }
0x64: {  	_ =	shalt  }
0x65: {  	_ =	shalt  }
0x66: {  	_ =	shalt  }
0x67: {  	_ =	shalt  }
0x68: {  	_ =	shalt  }
0x69: {  	_ =	shalt  }
0x6a: {  	_ =	shalt  }
0x6b: {  	_ =	shalt  }
0x6c: {  	_ =	shalt  }
0x6d: {  	_ =	shalt  }
0x6e: {  	_ =	shalt  }
0x6f: {  	_ =	shalt  }
0x70: {  	_ =	shalt  }
0x71: {  	_ =	shalt  }
0x72: {  	_ =	shalt  }
0x73: {  	_ =	shalt  }
0x74: {  	_ =	shalt  }
0x75: {  	_ =	shalt  }
0x76: {  	_ =	shalt  }
0x77: {  	_ =	shalt  }
0x78: {  	_ =	shalt  }
0x79: {  	_ =	shalt  }
0x7a: {  	_ =	shalt  }
0x7b: {  	_ =	shalt  }
0x7c: {  	_ =	shalt  }
0x7d: {  	_ =	shalt  }
0x7e: {  	_ =	shalt  }
0x7f: {  	_ =	shalt  }
0x80: {  	_ =	shalt  }
0x81: {  	_ =	shalt  }
0x82: {  	_ =	shalt  }
0x83: {  	_ =	shalt  }
0x84: {  	_ =	shalt  }
0x85: {  	_ =	shalt  }
0x86: {  	_ =	shalt  }
0x87: {  	_ =	shalt  }
.Lfunc_end0:
.L_simem_size_0:
called_computation.1_lowered:
.L_overlay_start_0:
0x88: {  	s2 =	sld [smem:$0x3FD9]  }
0x89: {  	s3 =	sld [smem:$0x3FFE];
	_ =	sdelay $0x1  }
0x8a: {  	s1 =	srdreg.scid  }
0x8b: {  	s0 =	sand.u32 $0x1, s1  }
0x8c: {  	s17 =	sshll.u32 s0, $0xA;
	s2 =	sadd.s32 s3, s2  }
0x8d: {  	s2 =	sadd.s32 s2, s17  }
0x8e: {  	[smem:$0x3FC6] =	sst s2  }
0x8f: {  	_ = 	snop  }
0x90: {  	s2 =	sld [smem:$0x3FC8]  }
0x91: {  	s18 =	sld [smem:$0x3FD0];
	(tm) =	ssettm $0x1  }
0x92: {  	s4 =	sld [smem:$0x3FFB];
	_ =	sdelay $0x3  }
0x93: {  	_ =	strace s4  }
0x94: {  	s4 =	sld [smem:$0x3FFC];
	_ =	sdelay $0x3  }
0x95: {  	_ =	strace s4  }
0x96: {  	s4 =	sld [smem:$0x3FFD];
	_ =	sdelay $0x3  }
0x97: {  	_ =	strace s4  }
0x98: {  	_ =	strace $0x8FFFFFFF  }
0x99: {  	s19 =	sld [smem:$0x3FDB];
	_ =	sdelay $0x1  }
0x9a: {  	s5 =	simm.s32 $_scs_section_size  }
0x9b: {  	s6 =	simm.s32 $_size__tile_overlayer_lowered;
	s7 =	simm.s32 $_tile_overlayer_lowered  }
0x9c: {  	s22 =	simm.s32 $0x1BFF;
	s21 =	sshll.u32 s7, $0x1;
	s4 =	sadd.s32 s5, s19  }
0x9d: {  	s8 =	simm.s32 $0x0;
	s20 =	sshll.u32 s6, $0x1;
	s6 =	sadd.s32 s21, s4  }
0x9e: {  	[timem:s8], [sflag:s22] =	dma.local [hbm:s6], s20  }
0x9f: {  	_ =	swait.ge [sflag:s22], s20  }
0xa0: {  	s5 =	ssub.s32 $0x0, s20;
	[sflag:s22] =	ssyncset.done $0x0  }
0xa1: {  	[sflag:s22] =	ssyncadd.s32 s5;
	_ =	sdelay $0x1  }
0xa2: {  	s23 =	simm.s32 $0x1B8B  }
0xa3: {  	_ =	swait.ge [sflag:s23], $0x1  }
0xa4: {  	[sflag:s23] =	ssyncset.done $0x0  }
0xa5: {  	s25 =	simm.s32 $0x1B8E;
	s24 =	sld [smem:$0x3FFE];
	[sflag:s23] =	ssyncadd.s32 $0xFFFFFFFF  }
0xa6: {  	s26 =	simm.s32 $execute0_lowered;
	[smem:$0x3FD2] =	sst s25  }
0xa7: {  	s6 =	sshll.u32 s26, $0x1;
	_ =	strace $0x80000046;
	[dreg:$0x1] =	wrdreg $0xFFFFFFFF  }
0xa8: {  	s28 =	simm.s32 $_size_execute0_lowered;
	s4 =	sadd.s32 s4, s6;
	[dreg:$0x0] =	wrdreg $0x0  }
0xa9: {  	s6 =	sshll.u32 s28, $0x1;
	[dreg:$0x2] =	wrdreg s4  }
0xaa: {  	[dreg:$0x3] =	wrdreg s6  }
0xab: {  	[dreg:$0x4] =	wrdreg $0xC0  }
0xac: {  	_ =	task [dreg:s8], $0x5FFFF  }
0xad: {  	[dreg:$0x1] =	wrdreg $0xFFFFFFFF  }
0xae: {  	[dreg:$0x0] =	wrdreg $0x60  }
0xaf: {  	[dreg:$0x2] =	wrdreg s24  }
0xb0: {  	[dreg:$0x3] =	wrdreg s2  }
0xb1: {  	[dreg:$0x4] =	wrdreg s18  }
0xb2: {  	[dreg:$0x5] =	wrdreg $0x9  }
0xb3: {  	_ =	task.clear_ibuf [dreg:s8], $0x6FFFF;
	_ =	strace $0x90000046  }
0xb4: {  	s29 =	simm.s32 $0x9;
	_ =	strace $0x80000048  }
0xb5: {  	_ =	swait.ge [sflag:s29], $0x1  }
0xb6: {  	[sflag:s29] =	ssyncadd.s32 $0xFFFFFFFF  }
0xb7: {  	_ =	strace $0x90000048  }
0xb8: {  	_ =	sfence  }
0xb9: {  	s30 =	sld [smem:$0x0];
	_ =	sdelay $0x2  }
0xba: {  	s31 =	sshll.u32 s1, $0xD;
	s1 =	sshrl.u32 s1, $0x2  }
0xbb: {  	s3 =	sand.u32 $0x4000, s31;
	s1 =	sadd.s32 s1, s30  }
0xbc: {  	s0 =	sor.u32 s3, s0;
	s1 =	sshll.u32 s1, $0x11  }
0xbd: {  	s0 =	sor.u32 s1, s0  }
0xbe: {  	s0 =	sadd.s32 $0x8F2B, s0  }
0xbf: {  	[sflag:s0] =	ssyncadd.remote.s32 $0x1  }
0xc0: {  	_ =	sfence.sel $0xFFFF  }
0xc1: {  	[dreg:$0x0] =	wrdreg $0xFFFFFFFF;
	(pc) =	sbr.abs _section_cstart, $3  }
0xc2: {  	[dreg:$0x1] =	wrdreg $0xFFFFFFFF  }
0xc3: {  	_ =	task.clear_ibuf [dreg:s8], $0x2FFFF;
	_ =	strace $0x9FFFFFFF  }
0xc4: {  	(tm) =	ssettm $0x7FFFFFFF  }
0xc5: {  	_ =	shalt  }
tec
execute0_lowered:
.L_overlay_start_1:
0x0: {  	(tag) =	ssettag $0x1  }
0x1: {  	s0 =	rddreg [dreg:$0x0]  }
0x2: {  	s1 =	srdreg.scid;
	s5 =	rddreg [dreg:$0x1]  }
0x3: {  	s10 =	stileid.u32;
	s12 =	rddreg [dreg:$0x2];
	s16 =	simm.s32 $0x7  }
0x4: {  	s17 =	simm.s32 $0x100;
	s18 =	simm.s32 $0x6400;
	s19 =	simm.s32 $0xA400  }
0x5: {  	s20 =	simm.s32 $0x1;
	s22 =	simm.s32 $0xE400;
	s23 =	simm.s32 $0x2  }
0x6: {  	s1 =	sand.u32 $0x1, s1;
	s2 =	sshll.u32 s10, $0x1;
	s29 =	smul.u32 $0xC800, s10  }
0x7: {  	s3 =	sor.u32 s1, s2;
	s6 =	ssub.s32 $0x2, s1;
	s1 =	smul.u32 $0x6400, s1  }
0x8: {  	s24 =	simm.s32 $0x4;
	s28 =	simm.s32 $0x5;
	s4 =	smul.u32 $0x6400, s3  }
0x9: {  	s30 =	simm.s32 $0x6;
	s2 =	simm.s32 $0x0;
	s7 =	smul.u32 $0x32000, s3  }
0xa: {  	[smem:$0x7FF] =	sst s2;
	s8 =	sshrl.u32 s6, $0x1;
	s9 =	smul.u32 $0x190000, s3  }
0xb: {  	s3 =	sadd.s32 $0xF42C00, s0;
	s0 =	simm.s32 $0x0;
	_ =	strace $0x80000047  }
0xc: {  	s26 =	ssub.s32 s6, s8;
	s1 =	sadd.s32 s1, s29;
	s31 =	sshrl.u32 s4, $0x3  }
0xd: {  	s4 =	sadd.s32 s12, s7;
	s9 =	sshrl.u32 s9, $0x3;
	s1 =	sshll.u32 s1, $0x3  }
0xe: {  	s5 =	sadd.s32 s5, s31;
	s6 =	sadd.s32 $0x800, s4;
	s7 =	sadd.s32 $0x1000, s4  }
0xf: {  	s11 =	sadd.s32 s12, s9;
	s1 =	sadd.s32 s1, s12;
	s12 =	smax.u32 s26, $0x1  }
0x10: {  	s26 =	simm.s32 $0x3;
	[dreg:$0x4] =	wrdreg s5;
	s8 =	sadd.s32 $0x30000, s11  }
0x11: {  	s9 =	sadd.s32 $0x30800, s11;
	s10 =	sadd.s32 $0x31000, s11;
	s11 =	sadd.s32 $0x31800, s11  }
0x12: {  	s13 =	sadd.s32 $0x2000, s1;
	s14 =	sadd.s32 $0x2800, s1;
	s15 =	sadd.s32 $0x1800, s1  }
.LBB2_1:
0x13: {  	s1 =	rddreg [dreg:$0x4]  }
0x14: {  	[tilespmem:s2], [sflag:$0x7] =	stream.linear.gather [hbm4b:s1+s2], $0x6400, $0x38;
	[tilespmem:$0x12400] =	vst v63  }
0x15: {  	_ =	swait.ge [sflag:s16], $0x6400  }
0x16: {  	[sflag:s16] =	ssyncset.done $0x0  }
0x17: {  	[sflag:s16] =	ssyncadd.s32 $0xFFFF9C00  }
0x18: {  	[tilespmem:s18], [sflag:$0x1] =	stream.indirect.gather [hbm4b:s3+s17], $0x40, s2, s17, $0xb8;
	[tilespmem:$0x12400] =	vst v63  }
0x19: {  	_ = 	snop  }
0x1a: {  	[tilespmem:s19], [sflag:$0x2] =	stream.indirect.gather [hbm4b:s3+s17], $0x40, s17, s17, $0xb8;
	[tilespmem:$0x12400] =	vst v63  }
0x1b: {  	_ =	swait.ge [sflag:s20], $0x4000  }
0x1c: {  	[sflag:s20] =	ssyncset.done $0x0  }
0x1d: {  	[sflag:s20] =	ssyncadd.s32 $0xFFFFC000  }
0x1e: {  	[hbm4b:s4+s2] =	stream.linear.scatter [tilespmem:s18], [sflag:$0x4], $0x4000, $0x38;
	[tilespmem:$0x12400] =	vst v63  }
0x1f: {  	s21 =	simm.s32 $0x200  }
0x20: {  	[tilespmem:s22], [sflag:$0x3] =	stream.indirect.gather [hbm4b:s3+s17], $0x40, s21, s17, $0xb8;
	[tilespmem:$0x12400] =	vst v63  }
0x21: {  	_ =	swait.ge [sflag:s23], $0x4000  }
0x22: {  	[sflag:s23] =	ssyncset.done $0x0  }
0x23: {  	[sflag:s23] =	ssyncadd.s32 $0xFFFFC000  }
0x24: {  	[hbm4b:s6+s2] =	stream.linear.scatter [tilespmem:s19], [sflag:$0x5], $0x4000, $0x38;
	[tilespmem:$0x12400] =	vst v63  }
0x25: {  	_ =	swait.ge [sflag:s24], $0x4000  }
0x26: {  	[sflag:s24] =	ssyncset.done $0x0  }
0x27: {  	s25 =	simm.s32 $0x300;
	[sflag:s24] =	ssyncadd.s32 $0xFFFFC000  }
0x28: {  	[tilespmem:s18], [sflag:$0x1] =	stream.indirect.gather [hbm4b:s3+s17], $0x40, s25, s17, $0xb8;
	[tilespmem:$0x12400] =	vst v63  }
0x29: {  	_ =	swait.ge [sflag:s26], $0x4000  }
0x2a: {  	[sflag:s26] =	ssyncset.done $0x0  }
0x2b: {  	[sflag:s26] =	ssyncadd.s32 $0xFFFFC000  }
0x2c: {  	[hbm4b:s7+s2] =	stream.linear.scatter [tilespmem:s22], [sflag:$0x6], $0x4000, $0x38;
	[tilespmem:$0x12400] =	vst v63  }
0x2d: {  	_ =	swait.ge [sflag:s28], $0x4000  }
0x2e: {  	[sflag:s28] =	ssyncset.done $0x0  }
0x2f: {  	s5 =	simm.s32 $0x400;
	[sflag:s28] =	ssyncadd.s32 $0xFFFFC000  }
0x30: {  	[tilespmem:s19], [sflag:$0x2] =	stream.indirect.gather [hbm4b:s3+s17], $0x40, s5, s17, $0xb8;
	[tilespmem:$0x12400] =	vst v63  }
0x31: {  	_ =	swait.ge [sflag:s20], $0x4000  }
0x32: {  	[sflag:s20] =	ssyncset.done $0x0  }
0x33: {  	[sflag:s20] =	ssyncadd.s32 $0xFFFFC000  }
0x34: {  	[hbm4b:s15+s2] =	stream.linear.scatter [tilespmem:s18], [sflag:$0x4], $0x4000, $0x38;
	[tilespmem:$0x12400] =	vst v63  }
0x35: {  	_ =	swait.ge [sflag:s30], $0x4000  }
0x36: {  	[sflag:s30] =	ssyncset.done $0x0  }
0x37: {  	s21 =	simm.s32 $0x500;
	[sflag:s30] =	ssyncadd.s32 $0xFFFFC000  }
0x38: {  	[tilespmem:s22], [sflag:$0x3] =	stream.indirect.gather [hbm4b:s3+s17], $0x40, s21, s17, $0xb8;
	[tilespmem:$0x12400] =	vst v63  }
0x39: {  	_ =	swait.ge [sflag:s23], $0x4000  }
0x3a: {  	[sflag:s23] =	ssyncset.done $0x0  }
0x3b: {  	[sflag:s23] =	ssyncadd.s32 $0xFFFFC000  }
0x3c: {  	[hbm4b:s13+s2] =	stream.linear.scatter [tilespmem:s19], [sflag:$0x5], $0x4000, $0x38;
	[tilespmem:$0x12400] =	vst v63  }
0x3d: {  	_ =	swait.ge [sflag:s24], $0x4000  }
0x3e: {  	[sflag:s24] =	ssyncset.done $0x0  }
0x3f: {  	s25 =	simm.s32 $0x600;
	[sflag:s24] =	ssyncadd.s32 $0xFFFFC000  }
0x40: {  	[tilespmem:s18], [sflag:$0x1] =	stream.indirect.gather [hbm4b:s3+s17], $0x40, s25, s17, $0xb8;
	[tilespmem:$0x12400] =	vst v63  }
0x41: {  	_ =	swait.ge [sflag:s26], $0x4000  }
0x42: {  	[sflag:s26] =	ssyncset.done $0x0  }
0x43: {  	[sflag:s26] =	ssyncadd.s32 $0xFFFFC000  }
0x44: {  	[hbm4b:s14+s2] =	stream.linear.scatter [tilespmem:s22], [sflag:$0x6], $0x4000, $0x38;
	[tilespmem:$0x12400] =	vst v63  }
0x45: {  	s29 =	sadd.s32 $0x1800, s15;
	_ =	swait.ge [sflag:s28], $0x4000  }
0x46: {  	s31 =	sadd.s32 $0x1800, s13;
	s1 =	simm.s32 $0x700;
	[sflag:s28] =	ssyncset.done $0x0  }
0x47: {  	s21 =	simm.s32 $0xC00;
	s25 =	sadd.s32 $0x1800, s14;
	[sflag:s28] =	ssyncadd.s32 $0xFFFFC000  }
.LBB2_2:
0x48: {  	[tilespmem:s19], [sflag:$0x2] =	stream.indirect.gather [hbm4b:s3+s17], $0x40, s1, s17, $0xb8;
	[tilespmem:$0x12400] =	vst v63  }
0x49: {  	s1 =	smov.u32 s21  }
0x4a: {  	p0 =	sne.s32 s21, $0x16800;
	s21 =	sadd.s32 $0xC00, s21;
	_ =	swait.ge [sflag:s20], $0x4000  }
0x4b: {  	[sflag:s20] =	ssyncset.done $0x0  }
0x4c: {  	[sflag:s20] =	ssyncadd.s32 $0xFFFFC000  }
0x4d: {  	[hbm4b:s29+s2] =	stream.linear.scatter [tilespmem:s18], [sflag:$0x4], $0x4000, $0x38;
	[tilespmem:$0x12400] =	vst v63  }
0x4e: {  	_ =	swait.ge [sflag:s30], $0x4000  }
0x4f: {  	s1 =	sshra.s32 s1, $0x2;
	[sflag:s30] =	ssyncset.done $0x0  }
0x50: {  	s5 =	sadd.s32 $0x500, s1;
	[sflag:s30] =	ssyncadd.s32 $0xFFFFC000  }
0x51: {  	[tilespmem:s22], [sflag:$0x3] =	stream.indirect.gather [hbm4b:s3+s17], $0x40, s5, s17, $0xb8;
	[tilespmem:$0x12400] =	vst v63  }
0x52: {  	_ =	swait.ge [sflag:s23], $0x4000  }
0x53: {  	[sflag:s23] =	ssyncset.done $0x0  }
0x54: {  	[sflag:s23] =	ssyncadd.s32 $0xFFFFC000  }
0x55: {  	[hbm4b:s31+s2] =	stream.linear.scatter [tilespmem:s19], [sflag:$0x5], $0x4000, $0x38;
	[tilespmem:$0x12400] =	vst v63  }
0x56: {  	_ =	swait.ge [sflag:s24], $0x4000  }
0x57: {  	[sflag:s24] =	ssyncset.done $0x0  }
0x58: {  	s5 =	sadd.s32 $0x600, s1;
	[sflag:s24] =	ssyncadd.s32 $0xFFFFC000  }
0x59: {  	[tilespmem:s18], [sflag:$0x1] =	stream.indirect.gather [hbm4b:s3+s17], $0x40, s5, s17, $0xb8;
	[tilespmem:$0x12400] =	vst v63  }
0x5a: {  	_ =	swait.ge [sflag:s26], $0x4000  }
0x5b: {  	[sflag:s26] =	ssyncset.done $0x0  }
.Ltmp0:
0x5c: {  	[sflag:s26] =	ssyncadd.s32 $0xFFFFC000;
	(pc) =	sbr.rel @p0 .LBB2_2-.Ltmp0, $4  }
0x5d: {  	[hbm4b:s25+s2] =	stream.linear.scatter [tilespmem:s22], [sflag:$0x6], $0x4000, $0x38;
	[tilespmem:$0x12400] =	vst v63  }
0x5e: {  	_ =	swait.ge [sflag:s28], $0x4000  }
0x5f: {  	s29 =	sadd.s32 $0x1800, s29;
	s25 =	sadd.s32 $0x1800, s25;
	[sflag:s28] =	ssyncset.done $0x0  }
0x60: {  	s1 =	sadd.s32 $0x700, s1;
	s31 =	sadd.s32 $0x1800, s31;
	[sflag:s28] =	ssyncadd.s32 $0xFFFFC000  }
0x61: {  	[tilespmem:s19], [sflag:$0x2] =	stream.indirect.gather [hbm4b:s3+s17], $0x40, s1, s17, $0xb8;
	[tilespmem:$0x12400] =	vst v63  }
0x62: {  	_ =	swait.ge [sflag:s20], $0x4000  }
0x63: {  	[sflag:s20] =	ssyncset.done $0x0  }
0x64: {  	[sflag:s20] =	ssyncadd.s32 $0xFFFFC000  }
0x65: {  	[hbm4b:s8+s2] =	stream.linear.scatter [tilespmem:s18], [sflag:$0x4], $0x4000, $0x38;
	[tilespmem:$0x12400] =	vst v63  }
0x66: {  	_ =	swait.ge [sflag:s30], $0x4000  }
0x67: {  	[sflag:s30] =	ssyncset.done $0x0  }
0x68: {  	s29 =	simm.s32 $0x6200;
	[sflag:s30] =	ssyncadd.s32 $0xFFFFC000  }
0x69: {  	[tilespmem:s22], [sflag:$0x3] =	stream.indirect.gather [hbm4b:s3+s17], $0x40, s29, s17, $0xb8;
	[tilespmem:$0x12400] =	vst v63  }
0x6a: {  	_ =	swait.ge [sflag:s23], $0x4000  }
0x6b: {  	[sflag:s23] =	ssyncset.done $0x0  }
0x6c: {  	[sflag:s23] =	ssyncadd.s32 $0xFFFFC000  }
0x6d: {  	[hbm4b:s9+s2] =	stream.linear.scatter [tilespmem:s19], [sflag:$0x5], $0x4000, $0x38;
	[tilespmem:$0x12400] =	vst v63  }
0x6e: {  	_ =	swait.ge [sflag:s24], $0x4000  }
0x6f: {  	[sflag:s24] =	ssyncset.done $0x0  }
0x70: {  	s31 =	simm.s32 $0x6300;
	[sflag:s24] =	ssyncadd.s32 $0xFFFFC000  }
0x71: {  	[tilespmem:s18], [sflag:$0x1] =	stream.indirect.gather [hbm4b:s3+s17], $0x40, s31, s17, $0xb8;
	[tilespmem:$0x12400] =	vst v63  }
0x72: {  	_ =	swait.ge [sflag:s26], $0x4000  }
0x73: {  	[sflag:s26] =	ssyncset.done $0x0  }
0x74: {  	[sflag:s26] =	ssyncadd.s32 $0xFFFFC000  }
0x75: {  	[hbm4b:s10+s2] =	stream.linear.scatter [tilespmem:s22], [sflag:$0x6], $0x4000, $0x38;
	[tilespmem:$0x12400] =	vst v63  }
0x76: {  	_ =	swait.ge [sflag:s20], $0x4000  }
0x77: {  	[sflag:s20] =	ssyncset.done $0x0  }
0x78: {  	[sflag:s20] =	ssyncadd.s32 $0xFFFFC000  }
0x79: {  	[hbm4b:s11+s2] =	stream.linear.scatter [tilespmem:s18], [sflag:$0x4], $0x4000, $0x38;
	[tilespmem:$0x12400] =	vst v63  }
0x7a: {  	_ =	swait.ge [sflag:s28], $0x4000  }
0x7b: {  	[sflag:s28] =	ssyncset.done $0x0  }
0x7c: {  	s0 =	sadd.s32 $0x1, s0;
	[sflag:s28] =	ssyncadd.s32 $0xFFFFC000  }
0x7d: {  	p0 =	sne.s32 s0, s12;
	_ =	swait.ge [sflag:s30], $0x4000  }
.Ltmp1:
0x7e: {  	[sflag:s30] =	ssyncset.done $0x0;
	(pc) =	sbr.rel @p0 .LBB2_1-.Ltmp1, $4  }
0x7f: {  	[sflag:s30] =	ssyncadd.s32 $0xFFFFC000  }
0x80: {  	_ =	swait.ge [sflag:s24], $0x4000  }
0x81: {  	[sflag:s24] =	ssyncset.done $0x0  }
0x82: {  	[sflag:s24] =	ssyncadd.s32 $0xFFFFC000  }
0x83: {  	_ =	sfence.sel $0x180000  }
0x84: {  	[bflag:$0x0] =	sbarrier.arrive $0xFFFF  }
0x85: {  	_ =	strace $0x90000047  }
0x86: {  	s0 =	stileid.u32;
	[bflag:$0x2] =	sbarrier.arrive $0xFFFF  }
0x87: {  	p0 =	sne.s32 s0, $0x0;
	s0 =	rddreg [dreg:$0x3]  }
0x88: {  	s0 =	sadd.s32 @!p0 $0x100000, s0  }
0x89: {  	[sflag:s0] =	ssyncadd.tile.s32 @!p0 $0x1;
	_ =	shalt  }
.Lfunc_end2:
_tile_overlayer_lowered:
.L_overlay_start_2:
0x8a: {  	(tag) =	ssettag $0x2  }
0x8b: {  	s0 =	rddreg [dreg:$0x0];
	s2 =	stileid.u32  }
0x8c: {  	s1 =	rddreg [dreg:$0x1];
	p0 =	sne.s32 s2, $0x0  }
0x8d: {  	s3 =	rddreg [dreg:$0x2];
	[bflag:$0x3] =	sbarrier.arrive $0xFFFF;
	s2 =	simm.s32 @!p0 $0x1C07  }
0x8e: {  	[timem:s3], [sflag:s2] =	dma.local @!p0 [hbm:s0], s1  }
0x8f: {  	s0 =	simm.s32 @!p0 $0x7  }
0x90: {  	_ =	swait.ge @!p0 [sflag:s0], s1  }
0x91: {  	s1 =	ssub.s32 @!p0 $0x0, s1;
	[sflag:s0] =	ssyncset.done @!p0 $0x0  }
0x92: {  	[sflag:s0] =	ssyncadd.s32 @!p0 s1  }
0x93: {  	[bflag:$0x3] =	sbarrier.arrive $0xFFFF  }
0x94: {  	_ =	shalt  }

// kernel: sparse-core-data-format-call.cloned.1.call-start
scs
called_computation_lowered:
.L_overlay_start_0:
0x0: {  	s2 =	sld [smem:$0x3FD9]  }
0x1: {  	s3 =	sld [smem:$0x3FFE];
	_ =	sdelay $0x1  }
0x2: {  	s1 =	srdreg.scid  }
0x3: {  	s0 =	sand.u32 $0x1, s1  }
0x4: {  	s18 =	sshll.u32 s0, $0xA;
	s2 =	sadd.s32 s3, s2  }
0x5: {  	s2 =	sadd.s32 s2, s18  }
0x6: {  	[smem:$0x3FC6] =	sst s2  }
0x7: {  	_ = 	snop  }
0x8: {  	s2 =	sld [smem:$0x3FD0];
	(tm) =	ssettm $0x1  }
0x9: {  	s19 =	sld [smem:$0x3FFB];
	_ =	sdelay $0x3  }
0xa: {  	_ =	strace s19  }
0xb: {  	s3 =	sld [smem:$0x3FFC];
	_ =	sdelay $0x3  }
0xc: {  	_ =	strace s3  }
0xd: {  	s3 =	sld [smem:$0x3FFD];
	_ =	sdelay $0x3  }
0xe: {  	_ =	strace s3  }
0xf: {  	_ =	strace $0x8FFFFFFF  }
0x10: {  	s20 =	sld [smem:$0x3FDB];
	_ =	sdelay $0x1  }
0x11: {  	s4 =	simm.s32 $_scs_section_size  }
0x12: {  	s5 =	simm.s32 $_size__tile_overlayer_lowered;
	s6 =	simm.s32 $_tile_overlayer_lowered  }
0x13: {  	s23 =	simm.s32 $0x1BFF;
	s22 =	sshll.u32 s6, $0x1;
	s3 =	sadd.s32 s4, s20  }
0x14: {  	s7 =	simm.s32 $0x0;
	s21 =	sshll.u32 s5, $0x1;
	s5 =	sadd.s32 s22, s3  }
0x15: {  	[timem:s7], [sflag:s23] =	dma.local [hbm:s5], s21  }
0x16: {  	_ =	swait.ge [sflag:s23], s21  }
0x17: {  	s4 =	ssub.s32 $0x0, s21;
	[sflag:s23] =	ssyncset.done $0x0  }
0x18: {  	[sflag:s23] =	ssyncadd.s32 s4;
	_ =	sdelay $0x1  }
0x19: {  	s24 =	simm.s32 $0x1B8B  }
0x1a: {  	_ =	swait.ge [sflag:s24], $0x1  }
0x1b: {  	[sflag:s24] =	ssyncset.done $0x0  }
0x1c: {  	s26 =	simm.s32 $0x1B8E;
	s25 =	sld [smem:$0x3FFE];
	[sflag:s24] =	ssyncadd.s32 $0xFFFFFFFF  }
0x1d: {  	s27 =	simm.s32 $execute0_lowered;
	[smem:$0x3FD2] =	sst s26  }
0x1e: {  	s5 =	sshll.u32 s27, $0x1;
	_ =	strace $0x80000049;
	[dreg:$0x1] =	wrdreg $0xFFFFFFFF  }
0x1f: {  	s28 =	simm.s32 $_size_execute0_lowered;
	s3 =	sadd.s32 s3, s5;
	[dreg:$0x0] =	wrdreg $0x0  }
0x20: {  	s5 =	sshll.u32 s28, $0x1;
	[dreg:$0x2] =	wrdreg s3  }
0x21: {  	[dreg:$0x3] =	wrdreg s5  }
0x22: {  	[dreg:$0x4] =	wrdreg $0xC0  }
0x23: {  	_ =	task [dreg:s7], $0x5FFFF  }
0x24: {  	[dreg:$0x1] =	wrdreg $0xFFFFFFFF  }
0x25: {  	[dreg:$0x0] =	wrdreg $0x60  }
0x26: {  	[dreg:$0x2] =	wrdreg s25  }
0x27: {  	[dreg:$0x3] =	wrdreg s2  }
0x28: {  	[dreg:$0x4] =	wrdreg $0x9  }
0x29: {  	_ =	task.clear_ibuf [dreg:s7], $0x5FFFF;
	_ =	strace $0x90000049  }
0x2a: {  	s29 =	simm.s32 $0x9;
	_ =	strace $0x8000004B  }
0x2b: {  	_ =	swait.ge [sflag:s29], $0x1  }
0x2c: {  	[sflag:s29] =	ssyncadd.s32 $0xFFFFFFFF  }
0x2d: {  	_ =	strace $0x9000004B  }
0x2e: {  	_ =	sfence  }
0x2f: {  	s30 =	sld [smem:$0x0];
	_ =	sdelay $0x2  }
0x30: {  	s31 =	sshll.u32 s1, $0xD;
	s1 =	sshrl.u32 s1, $0x2  }
0x31: {  	s3 =	sand.u32 $0x4000, s31;
	s1 =	sadd.s32 s1, s30  }
0x32: {  	s0 =	sor.u32 s3, s0;
	s1 =	sshll.u32 s1, $0x11  }
0x33: {  	s0 =	sor.u32 s1, s0  }
0x34: {  	s0 =	sadd.s32 $0x8F2B, s0  }
0x35: {  	[sflag:s0] =	ssyncadd.remote.s32 $0x1  }
0x36: {  	_ =	sfence.sel $0xFFFF  }
0x37: {  	[dreg:$0x0] =	wrdreg $0xFFFFFFFF;
	(pc) =	sbr.abs _section_cstart, $3  }
0x38: {  	[dreg:$0x1] =	wrdreg $0xFFFFFFFF  }
0x39: {  	_ =	task.clear_ibuf [dreg:s7], $0x2FFFF;
	_ =	strace $0x9FFFFFFF  }
0x3a: {  	(tm) =	ssettm $0x7FFFFFFF  }
0x3b: {  	_ =	shalt  }
tec
execute0_lowered:
.L_overlay_start_1:
0x0: {  	(tag) =	ssettag $0x1  }
0x1: {  	s0 =	srdreg.scid  }
0x2: {  	s1 =	sshll.u32 s0, $0x4  }
0x3: {  	s4 =	rddreg [dreg:$0x0];
	s0 =	stileid.u32;
	s1 =	sand.u32 $0x10, s1  }
0x4: {  	s2 =	rddreg [dreg:$0x1];
	s7 =	simm.s32 $0x1;
	s1 =	sor.u32 s0, s1  }
0x5: {  	s8 =	simm.s32 $0x2;
	s11 =	simm.s32 $0x0;
	s3 =	sshll.u32 s1, $0x7  }
0x6: {  	s10 =	simm.s32 $0x0;
	s4 =	sadd.s32 $0x800, s4;
	s6 =	ssub.s32 $0xC8000, s3  }
.Ltmp0:
0x7: {  	s1 =	rddreg [dreg:$0x2];
	s5 =	sand.u32 $0xF80, s6;
	(pc) =	sbr.rel .LBB1_1-.Ltmp0, $4  }
0x8: {  	_ =	strace $0x8000004A;
	s9 =	smov.u32 s3;
	p0 =	sne.s32 s5, $0x0  }
0x9: {  	s6 =	sshrl.u32 s6, $0xC;
	s5 =	simm.s32 $0x1;
	s7 =	simm.s32 @!p0 $0x0  }
0xa: {  	[sflag:s5] =	ssyncpa.u1 $0x0;
	p0 =	por $0x0, $0x0;
	s6 =	sadd.s32 s7, s6  }
0xb: {  	[sflag:s8] =	ssyncpa.u1 $0x0;
	s8 =	simm.s32 $0x640000;
	s7 =	sadd.s32 $0x1, s6  }
.LBB1_4:
0xc: {  	s14 =	sshll.u32 s11, $0x3  }
0xd: {  	s30 =	sand.u32 $0x7F, s11;
	s15 =	sand.u32 $0xFFFFFC00, s14  }
0xe: {  	s11 =	sor.u32 s30, s15  }
0xf: {  	s15 =	smulhi.u32 $0x51EB851F, s11  }
0x10: {  	s14 =	smulhi.u32 $0x51EB851F, s14  }
0x11: {  	s15 =	sshrl.u32 s15, $0x12  }
0x12: {  	s14 =	sshrl.u32 s14, $0x12;
	s15 =	smul.u32 $0xC8000, s15  }
0x13: {  	s14 =	sand.u32 $0x3F, s14  }
0x14: {  	s14 =	smul.u32 $0x19000, s14;
	s11 =	ssub.s32 s11, s15  }
0x15: {  	[tilespmem:s13+$0x810 ss:$0x81] =	vst.msk $0xffff, v2;
	s15 =	sand.u32 $0x7, s11  }
0x16: {  	[tilespmem:s13+$0x1020 ss:$0x81] =	vst.msk $0xffff, v0;
	s14 =	sadd.s32 s2, s14;
	s11 =	sshrl.u32 s11, $0x3;
	s15 =	sshll.u32 s15, $0x12  }
0x17: {  	[tilespmem:s13+$0x0 ss:$0x81] =	vst.msk $0xffff, v1;
	s11 =	sadd.s32 s11, s14;
	s31 =	sor.u32 $0x400, s15  }
0x18: {  	[hbm4b:s11+s31] =	stream.strided.scatter [tilespmem:s12], [sflag:$0x2], $0x2000, s8, s31, $0x20;
	[tilespmem:$0x8080] =	vst v63  }
.LBB1_5:
0x19: {  	s13 =	sadd.s32 $0x1000, s9  }
0x1a: {  	p2 =	sgt.s32 s13, $0xC7FFF  }
0x1b: {  	s13 =	smov.u32 @p2 s3;
	p2 =	sne.s32 s10, s7  }
.Ltmp1:
0x1c: {  	p1 =	slt.u32 s10, $0x2;
	(pc) =	sbr.rel @!p2 .LBB1_6-.Ltmp1, $4  }
0x1d: {  	s12 =	simm.s32 @!p1 $0x2  }
0x1e: {  	s14 =	sadd.s32 $0x1, s10;
	_ =	swait.ge @!p1 [sflag:s12], $0x2000  }
0x1f: {  	s11 =	smov.u32 s9;
	p0 =	por !p0, !p0;
	[sflag:s12] =	ssyncset.done @!p1 $0x0  }
0x20: {  	s10 =	smov.u32 s14;
	s9 =	smov.u32 s13;
	[sflag:s12] =	ssyncadd.s32 @!p1 $0xFFFFE000  }
.LBB1_1:
0x21: {  	p1 =	sge.u32 s10, s6  }
0x22: {  	s12 =	sand.u32 @!p1 $0x1FFFFFF, s9  }
0x23: {  	s13 =	smulhi.u32 @!p1 $0x147AE15, s12;
	_ =	sdelay $0x1  }
0x24: {  	s13 =	sshrl.u32 @!p1 s13, $0xC  }
0x25: {  	s13 =	smul.u32 @!p1 $0xC8000, s13;
	_ =	sdelay $0x1  }
0x26: {  	s31 =	sadd.s32 $0xFFFFFFFF, s10;
	s14 =	sxor.u32 @!p1 $0xFFFFFFFF, s10;
	s12 =	ssub.s32 @!p1 s12, s13  }
0x27: {  	s15 =	simm.s32 @!p1 $0x80;
	s14 =	sshll.u32 @!p1 s14, $0xD;
	s12 =	sshll.u32 @!p1 s12, $0x4  }
0x28: {  	s13 =	sand.u32 @!p1 $0x2000, s14;
	s14 =	simm.s32 @!p1 $0x40;
	s12 =	sadd.s32 @!p1 s4, s12  }
0x29: {  	[tilespmem:s13], [sflag:$0x1] =	stream.strided.gather @!p1 [hbm4b:s12+s14], $0x2000, s15, s14, $0x38;
	[tilespmem:$0x8080] =	vst v63  }
0x2a: {  	p1 =	sge.u32 s31, s6  }
.Ltmp2:
0x2b: {  	_ = 	snop;
	(pc) =	sbr.rel @p1 .LBB1_5-.Ltmp2, $1  }
0x2c: {  	_ =	sdelay $0x3  }
0x2d: {  	s12 =	simm.s32 $0x1  }
0x2e: {  	_ =	swait.ge [sflag:s5], $0x2000;
	s12 =	simm.s32 @!p0 $0x0  }
0x2f: {  	[sflag:s5] =	ssyncset.done $0x0;
	s13 =	sshll.u32 s12, $0xD  }
0x30: {  	[sflag:s5] =	ssyncadd.s32 $0xFFFFE000;
	s16 =	sor.u32 $0x20, s13  }
0x31: {  	s12 =	smul.u32 $0x8100, s12;
	v3 =	vld [tilespmem:s16+$0x10]  }
0x32: {  	s30 =	sand.u32 $0x1, s10;
	v2 =	vld [tilespmem:s16+$0xFFFFFFF0]  }
0x33: {  	s13 =	smul.u32 $0x8100, s30;
	s12 =	sshrl.u32 s12, $0x2;
	v0 =	vld [tilespmem:s16+$0x0]  }
0x34: {  	v1 =	vld [tilespmem:s16+$0xFFFFFFE0];
	s14 =	sor.u32 $0x4000, s12  }
0x35: {  	s31 =	sshrl.u32 s13, $0x2;
	s13 =	sadd.s32 $0x0, s14  }
0x36: {  	s15 =	simm.s32 $0x4;
	s16 =	sadd.s32 $0x40, s16;
	s12 =	sor.u32 $0x4000, s31;
	[tilespmem:s13+$0x1830 ss:$0x81] =	vst.msk $0xffff, v3  }
.LBB1_3:
0x37: {  	v3 =	vld [tilespmem:s16+$0x10];
	p1 =	sne.s32 s15, $0x1FC;
	[tilespmem:s13+$0x810 ss:$0x81] =	vst.msk $0xffff, v2;
	s17 =	smov.u32 s15;
	s15 =	sadd.s32 $0x4, s15  }
.Ltmp3:
0x38: {  	v2 =	vld [tilespmem:s16+$0xFFFFFFF0];
	[tilespmem:s13+$0x1020 ss:$0x81] =	vst.msk $0xffff, v0;
	(pc) =	sbr.rel @p1 .LBB1_3-.Ltmp3, $4  }
0x39: {  	v0 =	vld [tilespmem:s16+$0x0];
	[tilespmem:s13+$0x0 ss:$0x81] =	vst.msk $0xffff, v1  }
0x3a: {  	s13 =	sshra.s32 s17, $0x2;
	v1 =	vld [tilespmem:s16+$0xFFFFFFE0]  }
0x3b: {  	s13 =	sadd.s32 s13, s14  }
0x3c: {  	s16 =	sadd.s32 $0x40, s16;
	[tilespmem:s13+$0x1830 ss:$0x81] =	vst.msk $0xffff, v3  }
.Ltmp4:
0x3d: {  	_ = 	snop;
	(pc) =	sbr.rel .LBB1_4-.Ltmp4, $1  }
0x3e: {  	_ =	sdelay $0x3  }
.LBB1_6:
0x3f: {  	_ =	sfence.sel $0x180000  }
0x40: {  	s2 =	simm.s32 $0x1;
	[bflag:$0x0] =	sbarrier.arrive $0xFFFF  }
0x41: {  	s31 =	simm.s32 $0x2;
	[sflag:s2] =	ssyncpa.u1 $0x1  }
0x42: {  	[sflag:s31] =	ssyncpa.u1 $0x1  }
0x43: {  	p0 =	sne.s32 s0, $0x0;
	_ =	strace $0x9000004A  }
0x44: {  	s0 =	sadd.s32 @!p0 $0x100000, s1;
	[bflag:$0x2] =	sbarrier.arrive $0xFFFF  }
0x45: {  	[sflag:s0] =	ssyncadd.tile.s32 @!p0 $0x1;
	_ =	shalt  }
.Lfunc_end1:
_tile_overlayer_lowered:
.L_overlay_start_2:
0x46: {  	(tag) =	ssettag $0x2  }
0x47: {  	s0 =	rddreg [dreg:$0x0];
	s2 =	stileid.u32  }
0x48: {  	s1 =	rddreg [dreg:$0x1];
	p0 =	sne.s32 s2, $0x0  }
0x49: {  	s3 =	rddreg [dreg:$0x2];
	[bflag:$0x3] =	sbarrier.arrive $0xFFFF;
	s2 =	simm.s32 @!p0 $0x1C01  }
0x4a: {  	[timem:s3], [sflag:s2] =	dma.local @!p0 [hbm:s0], s1  }
0x4b: {  	s0 =	simm.s32 @!p0 $0x1  }
0x4c: {  	_ =	swait.ge @!p0 [sflag:s0], s1  }
0x4d: {  	s1 =	ssub.s32 @!p0 $0x0, s1;
	[sflag:s0] =	ssyncset.done @!p0 $0x0  }
0x4e: {  	[sflag:s0] =	ssyncadd.s32 @!p0 s1  }
0x4f: {  	[bflag:$0x3] =	sbarrier.arrive $0xFFFF  }
0x50: {  	_ =	shalt  }

</sc_bundles>
